<compile_context>
chip_gen: v7x
topology: tpu7x:2x2x1
jax: 0.10.2.dev20260603
libtpu: 0.0.44.dev20260713+nightly
codegen_flags: <defaults>
</compile_context>

<pallas_src>
import functools

import jax
import jax.numpy as jnp
from jax import lax
from jax.experimental import pallas as pl
from jax.experimental.pallas import tpu as pltpu
from jax.experimental.pallas import tpu_sc as plsc

B = 16384
D = 64
NPIX = 65536
NFRM = 10000
NW = 32
FPW = D // NW
NGRP = B // 16

_W1A, _W1B, _W1C = 0, 64, 128
_WLEN = 192


def _sigmoid(z):
    return 1.0 / (1.0 + jnp.exp(-z))


def _vslice(vt, d):
    return vt.at[pl.ds(pl.multiple_of(d * NFRM, 8), NFRM)]


def _sc_body(pixel, frame, uf, vf, up1f, up2f, vp1f, vp2f, wpack,
             out,
             pix_v, frm_v, acc, urow, vrow, wv, semu, semv):
    wid = lax.axis_index("s") * 2 + lax.axis_index("c")

    d0 = wid * FPW
    cu = pltpu.async_copy(uf.at[d0 >> 3, :, d0 & 7, :], urow, semu)
    cv = pltpu.async_copy(_vslice(vf, d0), vrow, semv)
    pltpu.sync_copy(wpack, wv)
    pltpu.sync_copy(pixel, pix_v)
    pltpu.sync_copy(frame, frm_v)

    for j in range(FPW):
        d = wid * FPW + j
        fb = d >> 3
        f = d & 7
        wad = plsc.load_gather(wv, [jnp.full((16,), _W1A, jnp.int32) + d])
        wbd = plsc.load_gather(wv, [jnp.full((16,), _W1B, jnp.int32) + d])
        wcd = plsc.load_gather(wv, [jnp.full((16,), _W1C, jnp.int32) + d])

        cu.wait()
        if j == 0:
            @plsc.parallel_loop(0, NGRP, 1, unroll=4)
            def u_loop(g):
                gof = pl.multiple_of(g * 16, 16)
                pix = pix_v[pl.ds(gof, 16)]
                val = plsc.load_gather(urow, [pix >> 7, pix & 127])
                acc[pl.ds(gof, 16)] = val * wad
        else:
            @plsc.parallel_loop(0, NGRP, 1, unroll=4)
            def u_loop(g):
                gof = pl.multiple_of(g * 16, 16)
                pix = pix_v[pl.ds(gof, 16)]
                val = plsc.load_gather(urow, [pix >> 7, pix & 127])
                acc[pl.ds(gof, 16)] = acc[pl.ds(gof, 16)] + val * wad

        cu = pltpu.async_copy(up1f.at[fb, :, f, :], urow, semu)

        cv.wait()

        @plsc.parallel_loop(0, NGRP, 1, unroll=4)
        def v_loop(g):
            gof = pl.multiple_of(g * 16, 16)
            val = plsc.load_gather(vrow, [frm_v[pl.ds(gof, 16)]])
            acc[pl.ds(gof, 16)] = acc[pl.ds(gof, 16)] + val * wbd
        cv = pltpu.async_copy(_vslice(vp1f, d), vrow, semv)

        for step in range(2):
            cu.wait()
            cv.wait()

            @plsc.parallel_loop(0, NGRP, 1, unroll=4)
            def p_loop(g):
                gof = pl.multiple_of(g * 16, 16)
                pix = pix_v[pl.ds(gof, 16)]
                a = plsc.load_gather(urow, [pix >> 7, pix & 127])
                b = plsc.load_gather(vrow, [frm_v[pl.ds(gof, 16)]])
                t = jnp.maximum(a, 0.0) * jnp.maximum(b, 0.0)
                acc[pl.ds(gof, 16)] = acc[pl.ds(gof, 16)] + t * wcd

            if step == 0:
                cu = pltpu.async_copy(up2f.at[fb, :, f, :], urow, semu)
                cv = pltpu.async_copy(_vslice(vp2f, d), vrow, semv)
            elif j + 1 < FPW:
                dn = d + 1
                cu = pltpu.async_copy(uf.at[dn >> 3, :, dn & 7, :], urow,
                                      semu)
                cv = pltpu.async_copy(_vslice(vf, dn), vrow, semv)

    pltpu.sync_copy(acc, out.at[wid])


@jax.jit
def _sc_run(pixel, frame, uf, vf, up1f, up2f, vp1f, vp2f, wpack):
    mesh = plsc.VectorSubcoreMesh(core_axis_name="c", subcore_axis_name="s",
                                  num_cores=2, num_subcores=16)
    f = functools.partial(
        pl.kernel,
        out_type=jax.ShapeDtypeStruct((NW, B), jnp.float32),
        mesh=mesh,
        compiler_params=pltpu.CompilerParams(needs_layout_passes=False,
                                             use_tc_tiling_on_sc=False),
        scratch_types=[
            pltpu.VMEM((B,), jnp.int32),
            pltpu.VMEM((B,), jnp.int32),
            pltpu.VMEM((B,), jnp.float32),
            pltpu.VMEM((NPIX // 128, 128), jnp.float32),
            pltpu.VMEM((NFRM,), jnp.float32),
            pltpu.VMEM((_WLEN,), jnp.float32),
            pltpu.SemaphoreType.DMA,
            pltpu.SemaphoreType.DMA,
        ],
    )(_sc_body)
    return f(pixel, frame, uf, vf, up1f, up2f, vp1f, vp2f, wpack)


def _tc_body(p_ref, t_ref, wsc, s1, bs1, s2, bs2, s3, bs3, s4, bs4,
             x_ref, s_ref):
    h = jnp.sum(p_ref[...], axis=0) + wsc[0]
    h = jnp.maximum(h, 0.0)
    x = _sigmoid(h * wsc[1] + wsc[2])
    x_ref[...] = x
    s = t_ref[...] - x
    a1 = [jnp.maximum(s * s1[0, j] + bs1[j], 0.0) for j in range(10)]
    a2 = []
    for j in range(10):
        acc = jnp.full_like(s, bs2[j])
        for k in range(10):
            acc = acc + a1[k] * s2[k, j]
        a2.append(jnp.maximum(acc, 0.0))
    a3 = []
    for j in range(10):
        acc = jnp.full_like(s, bs3[j])
        for k in range(10):
            acc = acc + a2[k] * s3[k, j]
        a3.append(jnp.maximum(acc, 0.0))
    z = jnp.full_like(s, bs4[0])
    for k in range(10):
        z = z + a3[k] * s4[k, 0]
    s_ref[...] = _sigmoid(z)


@jax.jit
def _tc_run(partial, target, wsc, S1, bs1, S2, bs2, S3, bs3, S4, bs4):
    smem = lambda: pl.BlockSpec(memory_space=pltpu.SMEM)
    vmem = lambda: pl.BlockSpec(memory_space=pltpu.VMEM)
    return pl.pallas_call(
        _tc_body,
        in_specs=[
            vmem(), vmem(), smem(), smem(), smem(), smem(), smem(),
            smem(), smem(), smem(), smem(),
        ],
        out_specs=(vmem(), vmem()),
        out_shape=(jax.ShapeDtypeStruct((8, B // 8), jnp.float32),
                   jax.ShapeDtypeStruct((8, B // 8), jnp.float32)),
    )(partial, target, wsc, S1, bs1, S2, bs2, S3, bs3, S4, bs4)


def kernel(pixel, frame, target, U, V, Up1, Up2, Vp1, Vp2, W1, b1, W2, b2,
           S1, bs1, S2, bs2, S3, bs3, S4, bs4):
    wpack = jnp.concatenate([W1[:, 0]])
    wsc = jnp.concatenate([b1, W2[0], b2])
    zview = lambda t: t.T.reshape(8, 8, NPIX // 128, 128).transpose(0, 2, 1, 3)
    partial = _sc_run(pixel.astype(jnp.int32), frame.astype(jnp.int32),
                      zview(U), V.T.reshape(-1),
                      zview(Up1), zview(Up2),
                      Vp1.T.reshape(-1), Vp2.T.reshape(-1), wpack)
    x, s = _tc_run(partial.reshape(NW, 8, B // 8), target.reshape(8, B // 8),
                   wsc, S1, bs1, S2, bs2, S3, bs3, S4, bs4)
    return (x.reshape(B, 1), s.reshape(B, 1))

# --- scband reference (transcript-rebuilt; emitter-appended) ---
"""Pipeline reference for scband-nnmf-1752346657168 (READ-ONLY COPY).

The authoritative reference and input builder live on the scoring server;
editing this copy changes nothing except your own understanding.
"""

import jax, jax.numpy as jnp
import numpy as np

NUM_PIXELS = 65536
NUM_FRAMES = 10000
B = 16384
D = 64
DPRIME = 64


def setup_inputs(seed: int = 0) -> dict:
    key = jax.random.key(seed)
    ks = jax.random.split(key, 24)
    n = jax.random.normal
    inp = {}
    inp["pixel"] = jax.random.randint(ks[0], (B,), 0, NUM_PIXELS)
    inp["frame"] = jax.random.randint(ks[1], (B,), 0, NUM_FRAMES)
    inp["target"] = jax.random.uniform(ks[2], (B, 1), dtype=jnp.float32)
    inp["U"] = 0.5 + 0.01 * n(ks[3], (NUM_PIXELS, D), dtype=jnp.float32)
    inp["V"] = 0.5 + 0.01 * n(ks[4], (NUM_FRAMES, D), dtype=jnp.float32)
    inp["Up1"] = 0.5 + 0.01 * n(ks[5], (NUM_PIXELS, DPRIME), dtype=jnp.float32)
    inp["Up2"] = 0.5 + 0.01 * n(ks[6], (NUM_PIXELS, DPRIME), dtype=jnp.float32)
    inp["Vp1"] = 0.5 + 0.01 * n(ks[7], (NUM_FRAMES, DPRIME), dtype=jnp.float32)
    inp["Vp2"] = 0.5 + 0.01 * n(ks[8], (NUM_FRAMES, DPRIME), dtype=jnp.float32)
    in_sz = 2 * D + DPRIME
    inp["W1"] = n(ks[9], (in_sz, 1), dtype=jnp.float32) * 0.05
    inp["b1"] = jnp.zeros((1,), jnp.float32)
    inp["W2"] = n(ks[10], (1, 1), dtype=jnp.float32) * 0.05
    inp["b2"] = jnp.zeros((1,), jnp.float32)
    inp["S1"] = n(ks[11], (1, 10), dtype=jnp.float32) * 0.5
    inp["bs1"] = 0.02 * n(ks[12], (10,), dtype=jnp.float32)
    inp["S2"] = n(ks[13], (10, 10), dtype=jnp.float32) * 0.5
    inp["bs2"] = 0.02 * n(ks[14], (10,), dtype=jnp.float32)
    inp["S3"] = n(ks[15], (10, 10), dtype=jnp.float32) * 0.5
    inp["bs3"] = 0.02 * n(ks[16], (10,), dtype=jnp.float32)
    inp["S4"] = n(ks[17], (10, 1), dtype=jnp.float32) * 0.5
    inp["bs4"] = 0.02 * n(ks[18], (1,), dtype=jnp.float32)
    return inp


def reference(pixel, frame, target, U, V, Up1, Up2, Vp1, Vp2, W1, b1, W2, b2, S1, bs1, S2, bs2, S3, bs3, S4, bs4):
    relu = jax.nn.relu
    dot_prod = relu(jnp.take(Up1, pixel, axis=0)) * relu(jnp.take(Vp1, frame, axis=0)) + relu(jnp.take(Up2, pixel, axis=0)) * relu(jnp.take(Vp2, frame, axis=0))
    mlp_input = jnp.concatenate([jnp.take(U, pixel, axis=0), jnp.take(V, frame, axis=0), dot_prod], axis=1)
    h = relu(mlp_input @ W1 + b1)
    x_out = jax.nn.sigmoid(h @ W2 + b2)
    s = target - x_out
    s = relu(s @ S1 + bs1)
    s = relu(s @ S2 + bs2)
    s = relu(s @ S3 + bs3)
    s_out = jax.nn.sigmoid(s @ S4 + bs4)
    return (x_out, s_out)

if __name__ == "__main__":
    import jax
    _d = setup_inputs()
    print(jax.jit(kernel)(*tuple(_d.values())))

</pallas_src>

<mosaic_0001>
#map = affine_map<(d0, d1) -> (0)>
#map1 = affine_map<(d0, d1) -> (0, 0, 0, 0)>
#map2 = affine_map<(d0, d1) -> (0, 0)>
module attributes {stable_mosaic.version = 14 : i64} {
  func.func @_sc_body(%arg0: i32, %arg1: i32, %arg2: memref<16384xi32, #tpu.memory_space<hbm>>, %arg3: memref<16384xi32, #tpu.memory_space<hbm>>, %arg4: memref<8x512x8x128xf32, #tpu.memory_space<hbm>>, %arg5: memref<640000xf32, #tpu.memory_space<hbm>>, %arg6: memref<8x512x8x128xf32, #tpu.memory_space<hbm>>, %arg7: memref<8x512x8x128xf32, #tpu.memory_space<hbm>>, %arg8: memref<640000xf32, #tpu.memory_space<hbm>>, %arg9: memref<640000xf32, #tpu.memory_space<hbm>>, %arg10: memref<192xf32, #tpu.memory_space<hbm>>, %arg11: memref<32x16384xf32, #tpu.memory_space<hbm>>, %arg12: memref<16384xi32, #tpu.memory_space<vmem>>, %arg13: memref<16384xi32, #tpu.memory_space<vmem>>, %arg14: memref<16384xf32, #tpu.memory_space<vmem>>, %arg15: memref<512x128xf32, #tpu.memory_space<vmem>>, %arg16: memref<10000xf32, #tpu.memory_space<vmem>>, %arg17: memref<192xf32, #tpu.memory_space<vmem>>, %arg18: memref<!tpu.dma_semaphore, #tpu.memory_space<semaphore_mem>>, %arg19: memref<!tpu.dma_semaphore, #tpu.memory_space<semaphore_mem>>) attributes {dimension_semantics = [#tpu.dimension_semantics<core_parallel>, #tpu.dimension_semantics<subcore_parallel>], iteration_bounds = array<i64: 2, 16>, scalar_prefetch = 0 : i64, scratch_operands = 8 : i64, tpu.core_type = #tpu.core_type<sc_vector_subcore>, window_params = [{transform_indices = #map}, {transform_indices = #map}, {transform_indices = #map1}, {transform_indices = #map}, {transform_indices = #map1}, {transform_indices = #map1}, {transform_indices = #map}, {transform_indices = #map}, {transform_indices = #map}, {transform_indices = #map2}]} {
    %mul3A = arith.constant 2 : i32
    %mul3A_0 = arith.muli %arg1, %mul3A : i32
    %add3A = arith.addi %mul3A_0, %arg0 : i32
    %mul3A_1 = arith.constant 2 : i32
    %mul3A_2 = arith.muli %add3A, %mul3A_1 : i32
    %shift_right_arithmetic3A = arith.constant 3 : i32
    %shift_right_arithmetic3A_3 = arith.shrsi %mul3A_2, %shift_right_arithmetic3A : i32
    %and3A = arith.constant 7 : i32
    %and3A_4 = arith.andi %mul3A_2, %and3A : i32
    %dma_start3A = arith.constant 0 : i32
    %dma_start3A_5 = arith.constant 0 : i32
    %dma_start3A_6 = tpu.memref_slice %arg4[%shift_right_arithmetic3A_3, %dma_start3A, %and3A_4, %dma_start3A_5] : memref<8x512x8x128xf32, #tpu.memory_space<hbm>> -> memref<1x512x1x128xf32, #tpu.memory_space<hbm>>
    %dma_start3A_7 = tpu.memref_squeeze %dma_start3A_6 : memref<1x512x1x128xf32, #tpu.memory_space<hbm>> -> memref<512x128xf32, #tpu.memory_space<hbm>>
    %dma_start3A_8 = arith.constant 0 : i32
    %dma_start3A_9 = arith.constant 0 : i32
    %dma_start3A_10 = tpu.memref_slice %arg4[%shift_right_arithmetic3A_3, %dma_start3A_8, %and3A_4, %dma_start3A_9] : memref<8x512x8x128xf32, #tpu.memory_space<hbm>> -> memref<1x512x1x128xf32, #tpu.memory_space<hbm>>
    %dma_start3A_11 = tpu.memref_squeeze %dma_start3A_10 : memref<1x512x1x128xf32, #tpu.memory_space<hbm>> -> memref<512x128xf32, #tpu.memory_space<hbm>>
    tpu.enqueue_dma source(%dma_start3A_11 : memref<512x128xf32, #tpu.memory_space<hbm>>) target(%arg15 : memref<512x128xf32, #tpu.memory_space<vmem>>) target_semaphore(%arg18 : memref<!tpu.dma_semaphore, #tpu.memory_space<semaphore_mem>>)
    %mul3A_12 = arith.constant 10000 : i32
    %mul3A_13 = arith.muli %mul3A_2, %mul3A_12 : i32
    %multiple_of3A = tpu.assume_multiple %mul3A_13, 8 : i32
    %dma_start3A_14 = tpu.memref_slice %arg5[%multiple_of3A] : memref<640000xf32, #tpu.memory_space<hbm>> -> memref<10000xf32, #tpu.memory_space<hbm>>
    %dma_start3A_15 = tpu.memref_slice %arg5[%multiple_of3A] : memref<640000xf32, #tpu.memory_space<hbm>> -> memref<10000xf32, #tpu.memory_space<hbm>>
    tpu.enqueue_dma source(%dma_start3A_15 : memref<10000xf32, #tpu.memory_space<hbm>>) target(%arg16 : memref<10000xf32, #tpu.memory_space<vmem>>) target_semaphore(%arg19 : memref<!tpu.dma_semaphore, #tpu.memory_space<semaphore_mem>>)
    "tpu.region"() ({
      %run_scoped3A = tpu.sem_alloc : memref<!tpu.dma_semaphore, #tpu.memory_space<semaphore_mem>>
      tpu.enqueue_dma source(%arg10 : memref<192xf32, #tpu.memory_space<hbm>>) target(%arg17 : memref<192xf32, #tpu.memory_space<vmem>>) target_semaphore(%run_scoped3A : memref<!tpu.dma_semaphore, #tpu.memory_space<semaphore_mem>>)
      tpu.wait_dma2 semaphore(%run_scoped3A : memref<!tpu.dma_semaphore, #tpu.memory_space<semaphore_mem>>) src(%arg10 : memref<192xf32, #tpu.memory_space<hbm>>) dst(%arg17 : memref<192xf32, #tpu.memory_space<vmem>>)
      tpu.yield
    }) : () -> ()
    "tpu.region"() ({
      %run_scoped3A = tpu.sem_alloc : memref<!tpu.dma_semaphore, #tpu.memory_space<semaphore_mem>>
      tpu.enqueue_dma source(%arg2 : memref<16384xi32, #tpu.memory_space<hbm>>) target(%arg12 : memref<16384xi32, #tpu.memory_space<vmem>>) target_semaphore(%run_scoped3A : memref<!tpu.dma_semaphore, #tpu.memory_space<semaphore_mem>>)
      tpu.wait_dma2 semaphore(%run_scoped3A : memref<!tpu.dma_semaphore, #tpu.memory_space<semaphore_mem>>) src(%arg2 : memref<16384xi32, #tpu.memory_space<hbm>>) dst(%arg12 : memref<16384xi32, #tpu.memory_space<vmem>>)
      tpu.yield
    }) : () -> ()
    "tpu.region"() ({
      %run_scoped3A = tpu.sem_alloc : memref<!tpu.dma_semaphore, #tpu.memory_space<semaphore_mem>>
      tpu.enqueue_dma source(%arg3 : memref<16384xi32, #tpu.memory_space<hbm>>) target(%arg13 : memref<16384xi32, #tpu.memory_space<vmem>>) target_semaphore(%run_scoped3A : memref<!tpu.dma_semaphore, #tpu.memory_space<semaphore_mem>>)
      tpu.wait_dma2 semaphore(%run_scoped3A : memref<!tpu.dma_semaphore, #tpu.memory_space<semaphore_mem>>) src(%arg3 : memref<16384xi32, #tpu.memory_space<hbm>>) dst(%arg13 : memref<16384xi32, #tpu.memory_space<vmem>>)
      tpu.yield
    }) : () -> ()
    %mul3A_16 = arith.constant 2 : i32
    %mul3A_17 = arith.muli %add3A, %mul3A_16 : i32
    %add3A_18 = arith.constant 0 : i32
    %add3A_19 = arith.addi %mul3A_17, %add3A_18 : i32
    %shift_right_arithmetic3A_20 = arith.constant 3 : i32
    %shift_right_arithmetic3A_21 = arith.shrsi %add3A_19, %shift_right_arithmetic3A_20 : i32
    %and3A_22 = arith.constant 7 : i32
    %and3A_23 = arith.andi %add3A_19, %and3A_22 : i32
    %broadcast_in_dim3A = arith.constant 0 : i32
    %broadcast_in_dim3A_24 = vector.broadcast %broadcast_in_dim3A : i32 to vector<16xi32>
    %add3A_25 = vector.broadcast %add3A_19 : i32 to vector<16xi32>
    %add3A_26 = arith.addi %broadcast_in_dim3A_24, %add3A_25 : vector<16xi32>
    %gather3A = tpu.vector_load_idx %arg17[%add3A_26] : memref<192xf32, #tpu.memory_space<vmem>>[vector<16xi32>], vector<16xf32>,
    %broadcast_in_dim3A_27 = arith.constant 64 : i32
    %broadcast_in_dim3A_28 = vector.broadcast %broadcast_in_dim3A_27 : i32 to vector<16xi32>
    %add3A_29 = vector.broadcast %add3A_19 : i32 to vector<16xi32>
    %add3A_30 = arith.addi %broadcast_in_dim3A_28, %add3A_29 : vector<16xi32>
    %gather3A_31 = tpu.vector_load_idx %arg17[%add3A_30] : memref<192xf32, #tpu.memory_space<vmem>>[vector<16xi32>], vector<16xf32>,
    %broadcast_in_dim3A_32 = arith.constant 128 : i32
    %broadcast_in_dim3A_33 = vector.broadcast %broadcast_in_dim3A_32 : i32 to vector<16xi32>
    %add3A_34 = vector.broadcast %add3A_19 : i32 to vector<16xi32>
    %add3A_35 = arith.addi %broadcast_in_dim3A_33, %add3A_34 : vector<16xi32>
    %gather3A_36 = tpu.vector_load_idx %arg17[%add3A_35] : memref<192xf32, #tpu.memory_space<vmem>>[vector<16xi32>], vector<16xf32>,
    %dma_wait3A = arith.constant 0 : i32
    %dma_wait3A_37 = arith.constant 0 : i32
    %dma_wait3A_38 = tpu.memref_slice %arg4[%shift_right_arithmetic3A_3, %dma_wait3A, %and3A_4, %dma_wait3A_37] : memref<8x512x8x128xf32, #tpu.memory_space<hbm>> -> memref<1x512x1x128xf32, #tpu.memory_space<hbm>>
    %dma_wait3A_39 = tpu.memref_squeeze %dma_wait3A_38 : memref<1x512x1x128xf32, #tpu.memory_space<hbm>> -> memref<512x128xf32, #tpu.memory_space<hbm>>
    %dma_wait3A_40 = arith.constant 0 : i32
    %dma_wait3A_41 = arith.constant 0 : i32
    %dma_wait3A_42 = tpu.memref_slice %arg4[%shift_right_arithmetic3A_3, %dma_wait3A_40, %and3A_4, %dma_wait3A_41] : memref<8x512x8x128xf32, #tpu.memory_space<hbm>> -> memref<1x512x1x128xf32, #tpu.memory_space<hbm>>
    %dma_wait3A_43 = tpu.memref_squeeze %dma_wait3A_42 : memref<1x512x1x128xf32, #tpu.memory_space<hbm>> -> memref<512x128xf32, #tpu.memory_space<hbm>>
    tpu.wait_dma2 semaphore(%arg18 : memref<!tpu.dma_semaphore, #tpu.memory_space<semaphore_mem>>) src(%dma_wait3A_43 : memref<512x128xf32, #tpu.memory_space<hbm>>) dst(%arg15 : memref<512x128xf32, #tpu.memory_space<vmem>>)
    %parallel_loop3A = arith.constant 0 : i32
    %parallel_loop3A_44 = arith.constant 1024 : i32
    %parallel_loop3A_45 = arith.constant 1 : i32
    scf.for %parallel_loop3A_213 = %parallel_loop3A to %parallel_loop3A_44 step %parallel_loop3A_45  : i32 {
      %parallel_loop3A_214 = arith.constant 16 : i32
      %parallel_loop3A_215 = arith.muli %parallel_loop3A_213, %parallel_loop3A_214 : i32
      %parallel_loop3A_216 = tpu.assume_multiple %parallel_loop3A_215, 16 : i32
      %parallel_loop3A_217 = arith.index_cast %parallel_loop3A_216 : i32 to index
      %parallel_loop3A_218 = tpu.vector_load %arg12[%parallel_loop3A_217] {strides = array<i32>} : memref<16384xi32, #tpu.memory_space<vmem>>, vector<16xi32>,
      %parallel_loop3A_219 = arith.constant 7 : i32
      %parallel_loop3A_220 = vector.broadcast %parallel_loop3A_219 : i32 to vector<16xi32>
      %parallel_loop3A_221 = arith.shrsi %parallel_loop3A_218, %parallel_loop3A_220 : vector<16xi32>
      %parallel_loop3A_222 = arith.constant 127 : i32
      %parallel_loop3A_223 = vector.broadcast %parallel_loop3A_222 : i32 to vector<16xi32>
      %parallel_loop3A_224 = arith.andi %parallel_loop3A_218, %parallel_loop3A_223 : vector<16xi32>
      %parallel_loop3A_225 = tpu.vector_load_idx %arg15[%parallel_loop3A_221, %parallel_loop3A_224] : memref<512x128xf32, #tpu.memory_space<vmem>>[vector<16xi32>, vector<16xi32>], vector<16xf32>,
      %parallel_loop3A_226 = arith.mulf %parallel_loop3A_225, %gather3A : vector<16xf32>
      %parallel_loop3A_227 = arith.index_cast %parallel_loop3A_216 : i32 to index
      %parallel_loop3A_228 = tpu.vector_load %arg14[%parallel_loop3A_227] {strides = array<i32>} : memref<16384xf32, #tpu.memory_space<vmem>>, vector<16xf32>,
      tpu.vector_store %arg14[%parallel_loop3A_227], %parallel_loop3A_226 {strides = array<i32>} : memref<16384xf32, #tpu.memory_space<vmem>>, vector<16xf32>,
    } {sc.loop_unroll_factor = 4 : i64, sc.parallel_access}
    %dma_start3A_46 = arith.constant 0 : i32
    %dma_start3A_47 = arith.constant 0 : i32
    %dma_start3A_48 = tpu.memref_slice %arg6[%shift_right_arithmetic3A_21, %dma_start3A_46, %and3A_23, %dma_start3A_47] : memref<8x512x8x128xf32, #tpu.memory_space<hbm>> -> memref<1x512x1x128xf32, #tpu.memory_space<hbm>>
    %dma_start3A_49 = tpu.memref_squeeze %dma_start3A_48 : memref<1x512x1x128xf32, #tpu.memory_space<hbm>> -> memref<512x128xf32, #tpu.memory_space<hbm>>
    %dma_start3A_50 = arith.constant 0 : i32
    %dma_start3A_51 = arith.constant 0 : i32
    %dma_start3A_52 = tpu.memref_slice %arg6[%shift_right_arithmetic3A_21, %dma_start3A_50, %and3A_23, %dma_start3A_51] : memref<8x512x8x128xf32, #tpu.memory_space<hbm>> -> memref<1x512x1x128xf32, #tpu.memory_space<hbm>>
    %dma_start3A_53 = tpu.memref_squeeze %dma_start3A_52 : memref<1x512x1x128xf32, #tpu.memory_space<hbm>> -> memref<512x128xf32, #tpu.memory_space<hbm>>
    tpu.enqueue_dma source(%dma_start3A_53 : memref<512x128xf32, #tpu.memory_space<hbm>>) target(%arg15 : memref<512x128xf32, #tpu.memory_space<vmem>>) target_semaphore(%arg18 : memref<!tpu.dma_semaphore, #tpu.memory_space<semaphore_mem>>)
    %dma_wait3A_54 = tpu.memref_slice %arg5[%multiple_of3A] : memref<640000xf32, #tpu.memory_space<hbm>> -> memref<10000xf32, #tpu.memory_space<hbm>>
    %dma_wait3A_55 = tpu.memref_slice %arg5[%multiple_of3A] : memref<640000xf32, #tpu.memory_space<hbm>> -> memref<10000xf32, #tpu.memory_space<hbm>>
    tpu.wait_dma2 semaphore(%arg19 : memref<!tpu.dma_semaphore, #tpu.memory_space<semaphore_mem>>) src(%dma_wait3A_55 : memref<10000xf32, #tpu.memory_space<hbm>>) dst(%arg16 : memref<10000xf32, #tpu.memory_space<vmem>>)
    %parallel_loop3A_56 = arith.constant 0 : i32
    %parallel_loop3A_57 = arith.constant 1024 : i32
    %parallel_loop3A_58 = arith.constant 1 : i32
    scf.for %parallel_loop3A_213 = %parallel_loop3A_56 to %parallel_loop3A_57 step %parallel_loop3A_58  : i32 {
      %parallel_loop3A_214 = arith.constant 16 : i32
      %parallel_loop3A_215 = arith.muli %parallel_loop3A_213, %parallel_loop3A_214 : i32
      %parallel_loop3A_216 = tpu.assume_multiple %parallel_loop3A_215, 16 : i32
      %parallel_loop3A_217 = arith.index_cast %parallel_loop3A_216 : i32 to index
      %parallel_loop3A_218 = tpu.vector_load %arg13[%parallel_loop3A_217] {strides = array<i32>} : memref<16384xi32, #tpu.memory_space<vmem>>, vector<16xi32>,
      %parallel_loop3A_219 = tpu.vector_load_idx %arg16[%parallel_loop3A_218] : memref<10000xf32, #tpu.memory_space<vmem>>[vector<16xi32>], vector<16xf32>,
      %parallel_loop3A_220 = arith.index_cast %parallel_loop3A_216 : i32 to index
      %parallel_loop3A_221 = tpu.vector_load %arg14[%parallel_loop3A_220] {strides = array<i32>} : memref<16384xf32, #tpu.memory_space<vmem>>, vector<16xf32>,
      %parallel_loop3A_222 = arith.mulf %parallel_loop3A_219, %gather3A_31 : vector<16xf32>
      %parallel_loop3A_223 = arith.addf %parallel_loop3A_221, %parallel_loop3A_222 : vector<16xf32>
      %parallel_loop3A_224 = arith.index_cast %parallel_loop3A_216 : i32 to index
      %parallel_loop3A_225 = tpu.vector_load %arg14[%parallel_loop3A_224] {strides = array<i32>} : memref<16384xf32, #tpu.memory_space<vmem>>, vector<16xf32>,
      tpu.vector_store %arg14[%parallel_loop3A_224], %parallel_loop3A_223 {strides = array<i32>} : memref<16384xf32, #tpu.memory_space<vmem>>, vector<16xf32>,
    } {sc.loop_unroll_factor = 4 : i64, sc.parallel_access}
    %mul3A_59 = arith.constant 10000 : i32
    %mul3A_60 = arith.muli %add3A_19, %mul3A_59 : i32
    %multiple_of3A_61 = tpu.assume_multiple %mul3A_60, 8 : i32
    %dma_start3A_62 = tpu.memref_slice %arg8[%multiple_of3A_61] : memref<640000xf32, #tpu.memory_space<hbm>> -> memref<10000xf32, #tpu.memory_space<hbm>>
    %dma_start3A_63 = tpu.memref_slice %arg8[%multiple_of3A_61] : memref<640000xf32, #tpu.memory_space<hbm>> -> memref<10000xf32, #tpu.memory_space<hbm>>
    tpu.enqueue_dma source(%dma_start3A_63 : memref<10000xf32, #tpu.memory_space<hbm>>) target(%arg16 : memref<10000xf32, #tpu.memory_space<vmem>>) target_semaphore(%arg19 : memref<!tpu.dma_semaphore, #tpu.memory_space<semaphore_mem>>)
    %dma_wait3A_64 = arith.constant 0 : i32
    %dma_wait3A_65 = arith.constant 0 : i32
    %dma_wait3A_66 = tpu.memref_slice %arg6[%shift_right_arithmetic3A_21, %dma_wait3A_64, %and3A_23, %dma_wait3A_65] : memref<8x512x8x128xf32, #tpu.memory_space<hbm>> -> memref<1x512x1x128xf32, #tpu.memory_space<hbm>>
    %dma_wait3A_67 = tpu.memref_squeeze %dma_wait3A_66 : memref<1x512x1x128xf32, #tpu.memory_space<hbm>> -> memref<512x128xf32, #tpu.memory_space<hbm>>
    %dma_wait3A_68 = arith.constant 0 : i32
    %dma_wait3A_69 = arith.constant 0 : i32
    %dma_wait3A_70 = tpu.memref_slice %arg6[%shift_right_arithmetic3A_21, %dma_wait3A_68, %and3A_23, %dma_wait3A_69] : memref<8x512x8x128xf32, #tpu.memory_space<hbm>> -> memref<1x512x1x128xf32, #tpu.memory_space<hbm>>
    %dma_wait3A_71 = tpu.memref_squeeze %dma_wait3A_70 : memref<1x512x1x128xf32, #tpu.memory_space<hbm>> -> memref<512x128xf32, #tpu.memory_space<hbm>>
    tpu.wait_dma2 semaphore(%arg18 : memref<!tpu.dma_semaphore, #tpu.memory_space<semaphore_mem>>) src(%dma_wait3A_71 : memref<512x128xf32, #tpu.memory_space<hbm>>) dst(%arg15 : memref<512x128xf32, #tpu.memory_space<vmem>>)
    %dma_wait3A_72 = tpu.memref_slice %arg8[%multiple_of3A_61] : memref<640000xf32, #tpu.memory_space<hbm>> -> memref<10000xf32, #tpu.memory_space<hbm>>
    %dma_wait3A_73 = tpu.memref_slice %arg8[%multiple_of3A_61] : memref<640000xf32, #tpu.memory_space<hbm>> -> memref<10000xf32, #tpu.memory_space<hbm>>
    tpu.wait_dma2 semaphore(%arg19 : memref<!tpu.dma_semaphore, #tpu.memory_space<semaphore_mem>>) src(%dma_wait3A_73 : memref<10000xf32, #tpu.memory_space<hbm>>) dst(%arg16 : memref<10000xf32, #tpu.memory_space<vmem>>)
    %parallel_loop3A_74 = arith.constant 0 : i32
    %parallel_loop3A_75 = arith.constant 1024 : i32
    %parallel_loop3A_76 = arith.constant 1 : i32
    scf.for %parallel_loop3A_213 = %parallel_loop3A_74 to %parallel_loop3A_75 step %parallel_loop3A_76  : i32 {
      %parallel_loop3A_214 = arith.constant 16 : i32
      %parallel_loop3A_215 = arith.muli %parallel_loop3A_213, %parallel_loop3A_214 : i32
      %parallel_loop3A_216 = tpu.assume_multiple %parallel_loop3A_215, 16 : i32
      %parallel_loop3A_217 = arith.index_cast %parallel_loop3A_216 : i32 to index
      %parallel_loop3A_218 = tpu.vector_load %arg12[%parallel_loop3A_217] {strides = array<i32>} : memref<16384xi32, #tpu.memory_space<vmem>>, vector<16xi32>,
      %parallel_loop3A_219 = arith.constant 7 : i32
      %parallel_loop3A_220 = vector.broadcast %parallel_loop3A_219 : i32 to vector<16xi32>
      %parallel_loop3A_221 = arith.shrsi %parallel_loop3A_218, %parallel_loop3A_220 : vector<16xi32>
      %parallel_loop3A_222 = arith.constant 127 : i32
      %parallel_loop3A_223 = vector.broadcast %parallel_loop3A_222 : i32 to vector<16xi32>
      %parallel_loop3A_224 = arith.andi %parallel_loop3A_218, %parallel_loop3A_223 : vector<16xi32>
      %parallel_loop3A_225 = tpu.vector_load_idx %arg15[%parallel_loop3A_221, %parallel_loop3A_224] : memref<512x128xf32, #tpu.memory_space<vmem>>[vector<16xi32>, vector<16xi32>], vector<16xf32>,
      %parallel_loop3A_226 = arith.index_cast %parallel_loop3A_216 : i32 to index
      %parallel_loop3A_227 = tpu.vector_load %arg13[%parallel_loop3A_226] {strides = array<i32>} : memref<16384xi32, #tpu.memory_space<vmem>>, vector<16xi32>,
      %parallel_loop3A_228 = tpu.vector_load_idx %arg16[%parallel_loop3A_227] : memref<10000xf32, #tpu.memory_space<vmem>>[vector<16xi32>], vector<16xf32>,
      %parallel_loop3A_229 = arith.constant 0.000000e+00 : f32
      %parallel_loop3A_230 = vector.broadcast %parallel_loop3A_229 : f32 to vector<16xf32>
      %parallel_loop3A_231 = arith.maximumf %parallel_loop3A_225, %parallel_loop3A_230 : vector<16xf32>
      %parallel_loop3A_232 = arith.constant 0.000000e+00 : f32
      %parallel_loop3A_233 = vector.broadcast %parallel_loop3A_232 : f32 to vector<16xf32>
      %parallel_loop3A_234 = arith.maximumf %parallel_loop3A_228, %parallel_loop3A_233 : vector<16xf32>
      %parallel_loop3A_235 = arith.mulf %parallel_loop3A_231, %parallel_loop3A_234 : vector<16xf32>
      %parallel_loop3A_236 = arith.index_cast %parallel_loop3A_216 : i32 to index
      %parallel_loop3A_237 = tpu.vector_load %arg14[%parallel_loop3A_236] {strides = array<i32>} : memref<16384xf32, #tpu.memory_space<vmem>>, vector<16xf32>,
      %parallel_loop3A_238 = arith.mulf %parallel_loop3A_235, %gather3A_36 : vector<16xf32>
      %parallel_loop3A_239 = arith.addf %parallel_loop3A_237, %parallel_loop3A_238 : vector<16xf32>
      %parallel_loop3A_240 = arith.index_cast %parallel_loop3A_216 : i32 to index
      %parallel_loop3A_241 = tpu.vector_load %arg14[%parallel_loop3A_240] {strides = array<i32>} : memref<16384xf32, #tpu.memory_space<vmem>>, vector<16xf32>,
      tpu.vector_store %arg14[%parallel_loop3A_240], %parallel_loop3A_239 {strides = array<i32>} : memref<16384xf32, #tpu.memory_space<vmem>>, vector<16xf32>,
    } {sc.loop_unroll_factor = 4 : i64, sc.parallel_access}
    %dma_start3A_77 = arith.constant 0 : i32
    %dma_start3A_78 = arith.constant 0 : i32
    %dma_start3A_79 = tpu.memref_slice %arg7[%shift_right_arithmetic3A_21, %dma_start3A_77, %and3A_23, %dma_start3A_78] : memref<8x512x8x128xf32, #tpu.memory_space<hbm>> -> memref<1x512x1x128xf32, #tpu.memory_space<hbm>>
    %dma_start3A_80 = tpu.memref_squeeze %dma_start3A_79 : memref<1x512x1x128xf32, #tpu.memory_space<hbm>> -> memref<512x128xf32, #tpu.memory_space<hbm>>
    %dma_start3A_81 = arith.constant 0 : i32
    %dma_start3A_82 = arith.constant 0 : i32
    %dma_start3A_83 = tpu.memref_slice %arg7[%shift_right_arithmetic3A_21, %dma_start3A_81, %and3A_23, %dma_start3A_82] : memref<8x512x8x128xf32, #tpu.memory_space<hbm>> -> memref<1x512x1x128xf32, #tpu.memory_space<hbm>>
    %dma_start3A_84 = tpu.memref_squeeze %dma_start3A_83 : memref<1x512x1x128xf32, #tpu.memory_space<hbm>> -> memref<512x128xf32, #tpu.memory_space<hbm>>
    tpu.enqueue_dma source(%dma_start3A_84 : memref<512x128xf32, #tpu.memory_space<hbm>>) target(%arg15 : memref<512x128xf32, #tpu.memory_space<vmem>>) target_semaphore(%arg18 : memref<!tpu.dma_semaphore, #tpu.memory_space<semaphore_mem>>)
    %mul3A_85 = arith.constant 10000 : i32
    %mul3A_86 = arith.muli %add3A_19, %mul3A_85 : i32
    %multiple_of3A_87 = tpu.assume_multiple %mul3A_86, 8 : i32
    %dma_start3A_88 = tpu.memref_slice %arg9[%multiple_of3A_87] : memref<640000xf32, #tpu.memory_space<hbm>> -> memref<10000xf32, #tpu.memory_space<hbm>>
    %dma_start3A_89 = tpu.memref_slice %arg9[%multiple_of3A_87] : memref<640000xf32, #tpu.memory_space<hbm>> -> memref<10000xf32, #tpu.memory_space<hbm>>
    tpu.enqueue_dma source(%dma_start3A_89 : memref<10000xf32, #tpu.memory_space<hbm>>) target(%arg16 : memref<10000xf32, #tpu.memory_space<vmem>>) target_semaphore(%arg19 : memref<!tpu.dma_semaphore, #tpu.memory_space<semaphore_mem>>)
    %dma_wait3A_90 = arith.constant 0 : i32
    %dma_wait3A_91 = arith.constant 0 : i32
    %dma_wait3A_92 = tpu.memref_slice %arg7[%shift_right_arithmetic3A_21, %dma_wait3A_90, %and3A_23, %dma_wait3A_91] : memref<8x512x8x128xf32, #tpu.memory_space<hbm>> -> memref<1x512x1x128xf32, #tpu.memory_space<hbm>>
    %dma_wait3A_93 = tpu.memref_squeeze %dma_wait3A_92 : memref<1x512x1x128xf32, #tpu.memory_space<hbm>> -> memref<512x128xf32, #tpu.memory_space<hbm>>
    %dma_wait3A_94 = arith.constant 0 : i32
    %dma_wait3A_95 = arith.constant 0 : i32
    %dma_wait3A_96 = tpu.memref_slice %arg7[%shift_right_arithmetic3A_21, %dma_wait3A_94, %and3A_23, %dma_wait3A_95] : memref<8x512x8x128xf32, #tpu.memory_space<hbm>> -> memref<1x512x1x128xf32, #tpu.memory_space<hbm>>
    %dma_wait3A_97 = tpu.memref_squeeze %dma_wait3A_96 : memref<1x512x1x128xf32, #tpu.memory_space<hbm>> -> memref<512x128xf32, #tpu.memory_space<hbm>>
    tpu.wait_dma2 semaphore(%arg18 : memref<!tpu.dma_semaphore, #tpu.memory_space<semaphore_mem>>) src(%dma_wait3A_97 : memref<512x128xf32, #tpu.memory_space<hbm>>) dst(%arg15 : memref<512x128xf32, #tpu.memory_space<vmem>>)
    %dma_wait3A_98 = tpu.memref_slice %arg9[%multiple_of3A_87] : memref<640000xf32, #tpu.memory_space<hbm>> -> memref<10000xf32, #tpu.memory_space<hbm>>
    %dma_wait3A_99 = tpu.memref_slice %arg9[%multiple_of3A_87] : memref<640000xf32, #tpu.memory_space<hbm>> -> memref<10000xf32, #tpu.memory_space<hbm>>
    tpu.wait_dma2 semaphore(%arg19 : memref<!tpu.dma_semaphore, #tpu.memory_space<semaphore_mem>>) src(%dma_wait3A_99 : memref<10000xf32, #tpu.memory_space<hbm>>) dst(%arg16 : memref<10000xf32, #tpu.memory_space<vmem>>)
    %parallel_loop3A_100 = arith.constant 0 : i32
    %parallel_loop3A_101 = arith.constant 1024 : i32
    %parallel_loop3A_102 = arith.constant 1 : i32
    scf.for %parallel_loop3A_213 = %parallel_loop3A_100 to %parallel_loop3A_101 step %parallel_loop3A_102  : i32 {
      %parallel_loop3A_214 = arith.constant 16 : i32
      %parallel_loop3A_215 = arith.muli %parallel_loop3A_213, %parallel_loop3A_214 : i32
      %parallel_loop3A_216 = tpu.assume_multiple %parallel_loop3A_215, 16 : i32
      %parallel_loop3A_217 = arith.index_cast %parallel_loop3A_216 : i32 to index
      %parallel_loop3A_218 = tpu.vector_load %arg12[%parallel_loop3A_217] {strides = array<i32>} : memref<16384xi32, #tpu.memory_space<vmem>>, vector<16xi32>,
      %parallel_loop3A_219 = arith.constant 7 : i32
      %parallel_loop3A_220 = vector.broadcast %parallel_loop3A_219 : i32 to vector<16xi32>
      %parallel_loop3A_221 = arith.shrsi %parallel_loop3A_218, %parallel_loop3A_220 : vector<16xi32>
      %parallel_loop3A_222 = arith.constant 127 : i32
      %parallel_loop3A_223 = vector.broadcast %parallel_loop3A_222 : i32 to vector<16xi32>
      %parallel_loop3A_224 = arith.andi %parallel_loop3A_218, %parallel_loop3A_223 : vector<16xi32>
      %parallel_loop3A_225 = tpu.vector_load_idx %arg15[%parallel_loop3A_221, %parallel_loop3A_224] : memref<512x128xf32, #tpu.memory_space<vmem>>[vector<16xi32>, vector<16xi32>], vector<16xf32>,
      %parallel_loop3A_226 = arith.index_cast %parallel_loop3A_216 : i32 to index
      %parallel_loop3A_227 = tpu.vector_load %arg13[%parallel_loop3A_226] {strides = array<i32>} : memref<16384xi32, #tpu.memory_space<vmem>>, vector<16xi32>,
      %parallel_loop3A_228 = tpu.vector_load_idx %arg16[%parallel_loop3A_227] : memref<10000xf32, #tpu.memory_space<vmem>>[vector<16xi32>], vector<16xf32>,
      %parallel_loop3A_229 = arith.constant 0.000000e+00 : f32
      %parallel_loop3A_230 = vector.broadcast %parallel_loop3A_229 : f32 to vector<16xf32>
      %parallel_loop3A_231 = arith.maximumf %parallel_loop3A_225, %parallel_loop3A_230 : vector<16xf32>
      %parallel_loop3A_232 = arith.constant 0.000000e+00 : f32
      %parallel_loop3A_233 = vector.broadcast %parallel_loop3A_232 : f32 to vector<16xf32>
      %parallel_loop3A_234 = arith.maximumf %parallel_loop3A_228, %parallel_loop3A_233 : vector<16xf32>
      %parallel_loop3A_235 = arith.mulf %parallel_loop3A_231, %parallel_loop3A_234 : vector<16xf32>
      %parallel_loop3A_236 = arith.index_cast %parallel_loop3A_216 : i32 to index
      %parallel_loop3A_237 = tpu.vector_load %arg14[%parallel_loop3A_236] {strides = array<i32>} : memref<16384xf32, #tpu.memory_space<vmem>>, vector<16xf32>,
      %parallel_loop3A_238 = arith.mulf %parallel_loop3A_235, %gather3A_36 : vector<16xf32>
      %parallel_loop3A_239 = arith.addf %parallel_loop3A_237, %parallel_loop3A_238 : vector<16xf32>
      %parallel_loop3A_240 = arith.index_cast %parallel_loop3A_216 : i32 to index
      %parallel_loop3A_241 = tpu.vector_load %arg14[%parallel_loop3A_240] {strides = array<i32>} : memref<16384xf32, #tpu.memory_space<vmem>>, vector<16xf32>,
      tpu.vector_store %arg14[%parallel_loop3A_240], %parallel_loop3A_239 {strides = array<i32>} : memref<16384xf32, #tpu.memory_space<vmem>>, vector<16xf32>,
    } {sc.loop_unroll_factor = 4 : i64, sc.parallel_access}
    %add3A_103 = arith.constant 1 : i32
    %add3A_104 = arith.addi %add3A_19, %add3A_103 : i32
    %shift_right_arithmetic3A_105 = arith.constant 3 : i32
    %shift_right_arithmetic3A_106 = arith.shrsi %add3A_104, %shift_right_arithmetic3A_105 : i32
    %and3A_107 = arith.constant 7 : i32
    %and3A_108 = arith.andi %add3A_104, %and3A_107 : i32
    %dma_start3A_109 = arith.constant 0 : i32
    %dma_start3A_110 = arith.constant 0 : i32
    %dma_start3A_111 = tpu.memref_slice %arg4[%shift_right_arithmetic3A_106, %dma_start3A_109, %and3A_108, %dma_start3A_110] : memref<8x512x8x128xf32, #tpu.memory_space<hbm>> -> memref<1x512x1x128xf32, #tpu.memory_space<hbm>>
    %dma_start3A_112 = tpu.memref_squeeze %dma_start3A_111 : memref<1x512x1x128xf32, #tpu.memory_space<hbm>> -> memref<512x128xf32, #tpu.memory_space<hbm>>
    %dma_start3A_113 = arith.constant 0 : i32
    %dma_start3A_114 = arith.constant 0 : i32
    %dma_start3A_115 = tpu.memref_slice %arg4[%shift_right_arithmetic3A_106, %dma_start3A_113, %and3A_108, %dma_start3A_114] : memref<8x512x8x128xf32, #tpu.memory_space<hbm>> -> memref<1x512x1x128xf32, #tpu.memory_space<hbm>>
    %dma_start3A_116 = tpu.memref_squeeze %dma_start3A_115 : memref<1x512x1x128xf32, #tpu.memory_space<hbm>> -> memref<512x128xf32, #tpu.memory_space<hbm>>
    tpu.enqueue_dma source(%dma_start3A_116 : memref<512x128xf32, #tpu.memory_space<hbm>>) target(%arg15 : memref<512x128xf32, #tpu.memory_space<vmem>>) target_semaphore(%arg18 : memref<!tpu.dma_semaphore, #tpu.memory_space<semaphore_mem>>)
    %mul3A_117 = arith.constant 10000 : i32
    %mul3A_118 = arith.muli %add3A_104, %mul3A_117 : i32
    %multiple_of3A_119 = tpu.assume_multiple %mul3A_118, 8 : i32
    %dma_start3A_120 = tpu.memref_slice %arg5[%multiple_of3A_119] : memref<640000xf32, #tpu.memory_space<hbm>> -> memref<10000xf32, #tpu.memory_space<hbm>>
    %dma_start3A_121 = tpu.memref_slice %arg5[%multiple_of3A_119] : memref<640000xf32, #tpu.memory_space<hbm>> -> memref<10000xf32, #tpu.memory_space<hbm>>
    tpu.enqueue_dma source(%dma_start3A_121 : memref<10000xf32, #tpu.memory_space<hbm>>) target(%arg16 : memref<10000xf32, #tpu.memory_space<vmem>>) target_semaphore(%arg19 : memref<!tpu.dma_semaphore, #tpu.memory_space<semaphore_mem>>)
    %mul3A_122 = arith.constant 2 : i32
    %mul3A_123 = arith.muli %add3A, %mul3A_122 : i32
    %add3A_124 = arith.constant 1 : i32
    %add3A_125 = arith.addi %mul3A_123, %add3A_124 : i32
    %shift_right_arithmetic3A_126 = arith.constant 3 : i32
    %shift_right_arithmetic3A_127 = arith.shrsi %add3A_125, %shift_right_arithmetic3A_126 : i32
    %and3A_128 = arith.constant 7 : i32
    %and3A_129 = arith.andi %add3A_125, %and3A_128 : i32
    %broadcast_in_dim3A_130 = arith.constant 0 : i32
    %broadcast_in_dim3A_131 = vector.broadcast %broadcast_in_dim3A_130 : i32 to vector<16xi32>
    %add3A_132 = vector.broadcast %add3A_125 : i32 to vector<16xi32>
    %add3A_133 = arith.addi %broadcast_in_dim3A_131, %add3A_132 : vector<16xi32>
    %gather3A_134 = tpu.vector_load_idx %arg17[%add3A_133] : memref<192xf32, #tpu.memory_space<vmem>>[vector<16xi32>], vector<16xf32>,
    %broadcast_in_dim3A_135 = arith.constant 64 : i32
    %broadcast_in_dim3A_136 = vector.broadcast %broadcast_in_dim3A_135 : i32 to vector<16xi32>
    %add3A_137 = vector.broadcast %add3A_125 : i32 to vector<16xi32>
    %add3A_138 = arith.addi %broadcast_in_dim3A_136, %add3A_137 : vector<16xi32>
    %gather3A_139 = tpu.vector_load_idx %arg17[%add3A_138] : memref<192xf32, #tpu.memory_space<vmem>>[vector<16xi32>], vector<16xf32>,
    %broadcast_in_dim3A_140 = arith.constant 128 : i32
    %broadcast_in_dim3A_141 = vector.broadcast %broadcast_in_dim3A_140 : i32 to vector<16xi32>
    %add3A_142 = vector.broadcast %add3A_125 : i32 to vector<16xi32>
    %add3A_143 = arith.addi %broadcast_in_dim3A_141, %add3A_142 : vector<16xi32>
    %gather3A_144 = tpu.vector_load_idx %arg17[%add3A_143] : memref<192xf32, #tpu.memory_space<vmem>>[vector<16xi32>], vector<16xf32>,
    %dma_wait3A_145 = arith.constant 0 : i32
    %dma_wait3A_146 = arith.constant 0 : i32
    %dma_wait3A_147 = tpu.memref_slice %arg4[%shift_right_arithmetic3A_106, %dma_wait3A_145, %and3A_108, %dma_wait3A_146] : memref<8x512x8x128xf32, #tpu.memory_space<hbm>> -> memref<1x512x1x128xf32, #tpu.memory_space<hbm>>
    %dma_wait3A_148 = tpu.memref_squeeze %dma_wait3A_147 : memref<1x512x1x128xf32, #tpu.memory_space<hbm>> -> memref<512x128xf32, #tpu.memory_space<hbm>>
    %dma_wait3A_149 = arith.constant 0 : i32
    %dma_wait3A_150 = arith.constant 0 : i32
    %dma_wait3A_151 = tpu.memref_slice %arg4[%shift_right_arithmetic3A_106, %dma_wait3A_149, %and3A_108, %dma_wait3A_150] : memref<8x512x8x128xf32, #tpu.memory_space<hbm>> -> memref<1x512x1x128xf32, #tpu.memory_space<hbm>>
    %dma_wait3A_152 = tpu.memref_squeeze %dma_wait3A_151 : memref<1x512x1x128xf32, #tpu.memory_space<hbm>> -> memref<512x128xf32, #tpu.memory_space<hbm>>
    tpu.wait_dma2 semaphore(%arg18 : memref<!tpu.dma_semaphore, #tpu.memory_space<semaphore_mem>>) src(%dma_wait3A_152 : memref<512x128xf32, #tpu.memory_space<hbm>>) dst(%arg15 : memref<512x128xf32, #tpu.memory_space<vmem>>)
    %parallel_loop3A_153 = arith.constant 0 : i32
    %parallel_loop3A_154 = arith.constant 1024 : i32
    %parallel_loop3A_155 = arith.constant 1 : i32
    scf.for %parallel_loop3A_213 = %parallel_loop3A_153 to %parallel_loop3A_154 step %parallel_loop3A_155  : i32 {
      %parallel_loop3A_214 = arith.constant 16 : i32
      %parallel_loop3A_215 = arith.muli %parallel_loop3A_213, %parallel_loop3A_214 : i32
      %parallel_loop3A_216 = tpu.assume_multiple %parallel_loop3A_215, 16 : i32
      %parallel_loop3A_217 = arith.index_cast %parallel_loop3A_216 : i32 to index
      %parallel_loop3A_218 = tpu.vector_load %arg12[%parallel_loop3A_217] {strides = array<i32>} : memref<16384xi32, #tpu.memory_space<vmem>>, vector<16xi32>,
      %parallel_loop3A_219 = arith.constant 7 : i32
      %parallel_loop3A_220 = vector.broadcast %parallel_loop3A_219 : i32 to vector<16xi32>
      %parallel_loop3A_221 = arith.shrsi %parallel_loop3A_218, %parallel_loop3A_220 : vector<16xi32>
      %parallel_loop3A_222 = arith.constant 127 : i32
      %parallel_loop3A_223 = vector.broadcast %parallel_loop3A_222 : i32 to vector<16xi32>
      %parallel_loop3A_224 = arith.andi %parallel_loop3A_218, %parallel_loop3A_223 : vector<16xi32>
      %parallel_loop3A_225 = tpu.vector_load_idx %arg15[%parallel_loop3A_221, %parallel_loop3A_224] : memref<512x128xf32, #tpu.memory_space<vmem>>[vector<16xi32>, vector<16xi32>], vector<16xf32>,
      %parallel_loop3A_226 = arith.index_cast %parallel_loop3A_216 : i32 to index
      %parallel_loop3A_227 = tpu.vector_load %arg14[%parallel_loop3A_226] {strides = array<i32>} : memref<16384xf32, #tpu.memory_space<vmem>>, vector<16xf32>,
      %parallel_loop3A_228 = arith.mulf %parallel_loop3A_225, %gather3A_134 : vector<16xf32>
      %parallel_loop3A_229 = arith.addf %parallel_loop3A_227, %parallel_loop3A_228 : vector<16xf32>
      %parallel_loop3A_230 = arith.index_cast %parallel_loop3A_216 : i32 to index
      %parallel_loop3A_231 = tpu.vector_load %arg14[%parallel_loop3A_230] {strides = array<i32>} : memref<16384xf32, #tpu.memory_space<vmem>>, vector<16xf32>,
      tpu.vector_store %arg14[%parallel_loop3A_230], %parallel_loop3A_229 {strides = array<i32>} : memref<16384xf32, #tpu.memory_space<vmem>>, vector<16xf32>,
    } {sc.loop_unroll_factor = 4 : i64, sc.parallel_access}
    %dma_start3A_156 = arith.constant 0 : i32
    %dma_start3A_157 = arith.constant 0 : i32
    %dma_start3A_158 = tpu.memref_slice %arg6[%shift_right_arithmetic3A_127, %dma_start3A_156, %and3A_129, %dma_start3A_157] : memref<8x512x8x128xf32, #tpu.memory_space<hbm>> -> memref<1x512x1x128xf32, #tpu.memory_space<hbm>>
    %dma_start3A_159 = tpu.memref_squeeze %dma_start3A_158 : memref<1x512x1x128xf32, #tpu.memory_space<hbm>> -> memref<512x128xf32, #tpu.memory_space<hbm>>
    %dma_start3A_160 = arith.constant 0 : i32
    %dma_start3A_161 = arith.constant 0 : i32
    %dma_start3A_162 = tpu.memref_slice %arg6[%shift_right_arithmetic3A_127, %dma_start3A_160, %and3A_129, %dma_start3A_161] : memref<8x512x8x128xf32, #tpu.memory_space<hbm>> -> memref<1x512x1x128xf32, #tpu.memory_space<hbm>>
    %dma_start3A_163 = tpu.memref_squeeze %dma_start3A_162 : memref<1x512x1x128xf32, #tpu.memory_space<hbm>> -> memref<512x128xf32, #tpu.memory_space<hbm>>
    tpu.enqueue_dma source(%dma_start3A_163 : memref<512x128xf32, #tpu.memory_space<hbm>>) target(%arg15 : memref<512x128xf32, #tpu.memory_space<vmem>>) target_semaphore(%arg18 : memref<!tpu.dma_semaphore, #tpu.memory_space<semaphore_mem>>)
    %dma_wait3A_164 = tpu.memref_slice %arg5[%multiple_of3A_119] : memref<640000xf32, #tpu.memory_space<hbm>> -> memref<10000xf32, #tpu.memory_space<hbm>>
    %dma_wait3A_165 = tpu.memref_slice %arg5[%multiple_of3A_119] : memref<640000xf32, #tpu.memory_space<hbm>> -> memref<10000xf32, #tpu.memory_space<hbm>>
    tpu.wait_dma2 semaphore(%arg19 : memref<!tpu.dma_semaphore, #tpu.memory_space<semaphore_mem>>) src(%dma_wait3A_165 : memref<10000xf32, #tpu.memory_space<hbm>>) dst(%arg16 : memref<10000xf32, #tpu.memory_space<vmem>>)
    %parallel_loop3A_166 = arith.constant 0 : i32
    %parallel_loop3A_167 = arith.constant 1024 : i32
    %parallel_loop3A_168 = arith.constant 1 : i32
    scf.for %parallel_loop3A_213 = %parallel_loop3A_166 to %parallel_loop3A_167 step %parallel_loop3A_168  : i32 {
      %parallel_loop3A_214 = arith.constant 16 : i32
      %parallel_loop3A_215 = arith.muli %parallel_loop3A_213, %parallel_loop3A_214 : i32
      %parallel_loop3A_216 = tpu.assume_multiple %parallel_loop3A_215, 16 : i32
      %parallel_loop3A_217 = arith.index_cast %parallel_loop3A_216 : i32 to index
      %parallel_loop3A_218 = tpu.vector_load %arg13[%parallel_loop3A_217] {strides = array<i32>} : memref<16384xi32, #tpu.memory_space<vmem>>, vector<16xi32>,
      %parallel_loop3A_219 = tpu.vector_load_idx %arg16[%parallel_loop3A_218] : memref<10000xf32, #tpu.memory_space<vmem>>[vector<16xi32>], vector<16xf32>,
      %parallel_loop3A_220 = arith.index_cast %parallel_loop3A_216 : i32 to index
      %parallel_loop3A_221 = tpu.vector_load %arg14[%parallel_loop3A_220] {strides = array<i32>} : memref<16384xf32, #tpu.memory_space<vmem>>, vector<16xf32>,
      %parallel_loop3A_222 = arith.mulf %parallel_loop3A_219, %gather3A_139 : vector<16xf32>
      %parallel_loop3A_223 = arith.addf %parallel_loop3A_221, %parallel_loop3A_222 : vector<16xf32>
      %parallel_loop3A_224 = arith.index_cast %parallel_loop3A_216 : i32 to index
      %parallel_loop3A_225 = tpu.vector_load %arg14[%parallel_loop3A_224] {strides = array<i32>} : memref<16384xf32, #tpu.memory_space<vmem>>, vector<16xf32>,
      tpu.vector_store %arg14[%parallel_loop3A_224], %parallel_loop3A_223 {strides = array<i32>} : memref<16384xf32, #tpu.memory_space<vmem>>, vector<16xf32>,
    } {sc.loop_unroll_factor = 4 : i64, sc.parallel_access}
    %mul3A_169 = arith.constant 10000 : i32
    %mul3A_170 = arith.muli %add3A_125, %mul3A_169 : i32
    %multiple_of3A_171 = tpu.assume_multiple %mul3A_170, 8 : i32
    %dma_start3A_172 = tpu.memref_slice %arg8[%multiple_of3A_171] : memref<640000xf32, #tpu.memory_space<hbm>> -> memref<10000xf32, #tpu.memory_space<hbm>>
    %dma_start3A_173 = tpu.memref_slice %arg8[%multiple_of3A_171] : memref<640000xf32, #tpu.memory_space<hbm>> -> memref<10000xf32, #tpu.memory_space<hbm>>
    tpu.enqueue_dma source(%dma_start3A_173 : memref<10000xf32, #tpu.memory_space<hbm>>) target(%arg16 : memref<10000xf32, #tpu.memory_space<vmem>>) target_semaphore(%arg19 : memref<!tpu.dma_semaphore, #tpu.memory_space<semaphore_mem>>)
    %dma_wait3A_174 = arith.constant 0 : i32
    %dma_wait3A_175 = arith.constant 0 : i32
    %dma_wait3A_176 = tpu.memref_slice %arg6[%shift_right_arithmetic3A_127, %dma_wait3A_174, %and3A_129, %dma_wait3A_175] : memref<8x512x8x128xf32, #tpu.memory_space<hbm>> -> memref<1x512x1x128xf32, #tpu.memory_space<hbm>>
    %dma_wait3A_177 = tpu.memref_squeeze %dma_wait3A_176 : memref<1x512x1x128xf32, #tpu.memory_space<hbm>> -> memref<512x128xf32, #tpu.memory_space<hbm>>
    %dma_wait3A_178 = arith.constant 0 : i32
    %dma_wait3A_179 = arith.constant 0 : i32
    %dma_wait3A_180 = tpu.memref_slice %arg6[%shift_right_arithmetic3A_127, %dma_wait3A_178, %and3A_129, %dma_wait3A_179] : memref<8x512x8x128xf32, #tpu.memory_space<hbm>> -> memref<1x512x1x128xf32, #tpu.memory_space<hbm>>
    %dma_wait3A_181 = tpu.memref_squeeze %dma_wait3A_180 : memref<1x512x1x128xf32, #tpu.memory_space<hbm>> -> memref<512x128xf32, #tpu.memory_space<hbm>>
    tpu.wait_dma2 semaphore(%arg18 : memref<!tpu.dma_semaphore, #tpu.memory_space<semaphore_mem>>) src(%dma_wait3A_181 : memref<512x128xf32, #tpu.memory_space<hbm>>) dst(%arg15 : memref<512x128xf32, #tpu.memory_space<vmem>>)
    %dma_wait3A_182 = tpu.memref_slice %arg8[%multiple_of3A_171] : memref<640000xf32, #tpu.memory_space<hbm>> -> memref<10000xf32, #tpu.memory_space<hbm>>
    %dma_wait3A_183 = tpu.memref_slice %arg8[%multiple_of3A_171] : memref<640000xf32, #tpu.memory_space<hbm>> -> memref<10000xf32, #tpu.memory_space<hbm>>
    tpu.wait_dma2 semaphore(%arg19 : memref<!tpu.dma_semaphore, #tpu.memory_space<semaphore_mem>>) src(%dma_wait3A_183 : memref<10000xf32, #tpu.memory_space<hbm>>) dst(%arg16 : memref<10000xf32, #tpu.memory_space<vmem>>)
    %parallel_loop3A_184 = arith.constant 0 : i32
    %parallel_loop3A_185 = arith.constant 1024 : i32
    %parallel_loop3A_186 = arith.constant 1 : i32
    scf.for %parallel_loop3A_213 = %parallel_loop3A_184 to %parallel_loop3A_185 step %parallel_loop3A_186  : i32 {
      %parallel_loop3A_214 = arith.constant 16 : i32
      %parallel_loop3A_215 = arith.muli %parallel_loop3A_213, %parallel_loop3A_214 : i32
      %parallel_loop3A_216 = tpu.assume_multiple %parallel_loop3A_215, 16 : i32
      %parallel_loop3A_217 = arith.index_cast %parallel_loop3A_216 : i32 to index
      %parallel_loop3A_218 = tpu.vector_load %arg12[%parallel_loop3A_217] {strides = array<i32>} : memref<16384xi32, #tpu.memory_space<vmem>>, vector<16xi32>,
      %parallel_loop3A_219 = arith.constant 7 : i32
      %parallel_loop3A_220 = vector.broadcast %parallel_loop3A_219 : i32 to vector<16xi32>
      %parallel_loop3A_221 = arith.shrsi %parallel_loop3A_218, %parallel_loop3A_220 : vector<16xi32>
      %parallel_loop3A_222 = arith.constant 127 : i32
      %parallel_loop3A_223 = vector.broadcast %parallel_loop3A_222 : i32 to vector<16xi32>
      %parallel_loop3A_224 = arith.andi %parallel_loop3A_218, %parallel_loop3A_223 : vector<16xi32>
      %parallel_loop3A_225 = tpu.vector_load_idx %arg15[%parallel_loop3A_221, %parallel_loop3A_224] : memref<512x128xf32, #tpu.memory_space<vmem>>[vector<16xi32>, vector<16xi32>], vector<16xf32>,
      %parallel_loop3A_226 = arith.index_cast %parallel_loop3A_216 : i32 to index
      %parallel_loop3A_227 = tpu.vector_load %arg13[%parallel_loop3A_226] {strides = array<i32>} : memref<16384xi32, #tpu.memory_space<vmem>>, vector<16xi32>,
      %parallel_loop3A_228 = tpu.vector_load_idx %arg16[%parallel_loop3A_227] : memref<10000xf32, #tpu.memory_space<vmem>>[vector<16xi32>], vector<16xf32>,
      %parallel_loop3A_229 = arith.constant 0.000000e+00 : f32
      %parallel_loop3A_230 = vector.broadcast %parallel_loop3A_229 : f32 to vector<16xf32>
      %parallel_loop3A_231 = arith.maximumf %parallel_loop3A_225, %parallel_loop3A_230 : vector<16xf32>
      %parallel_loop3A_232 = arith.constant 0.000000e+00 : f32
      %parallel_loop3A_233 = vector.broadcast %parallel_loop3A_232 : f32 to vector<16xf32>
      %parallel_loop3A_234 = arith.maximumf %parallel_loop3A_228, %parallel_loop3A_233 : vector<16xf32>
      %parallel_loop3A_235 = arith.mulf %parallel_loop3A_231, %parallel_loop3A_234 : vector<16xf32>
      %parallel_loop3A_236 = arith.index_cast %parallel_loop3A_216 : i32 to index
      %parallel_loop3A_237 = tpu.vector_load %arg14[%parallel_loop3A_236] {strides = array<i32>} : memref<16384xf32, #tpu.memory_space<vmem>>, vector<16xf32>,
      %parallel_loop3A_238 = arith.mulf %parallel_loop3A_235, %gather3A_144 : vector<16xf32>
      %parallel_loop3A_239 = arith.addf %parallel_loop3A_237, %parallel_loop3A_238 : vector<16xf32>
      %parallel_loop3A_240 = arith.index_cast %parallel_loop3A_216 : i32 to index
      %parallel_loop3A_241 = tpu.vector_load %arg14[%parallel_loop3A_240] {strides = array<i32>} : memref<16384xf32, #tpu.memory_space<vmem>>, vector<16xf32>,
      tpu.vector_store %arg14[%parallel_loop3A_240], %parallel_loop3A_239 {strides = array<i32>} : memref<16384xf32, #tpu.memory_space<vmem>>, vector<16xf32>,
    } {sc.loop_unroll_factor = 4 : i64, sc.parallel_access}
    %dma_start3A_187 = arith.constant 0 : i32
    %dma_start3A_188 = arith.constant 0 : i32
    %dma_start3A_189 = tpu.memref_slice %arg7[%shift_right_arithmetic3A_127, %dma_start3A_187, %and3A_129, %dma_start3A_188] : memref<8x512x8x128xf32, #tpu.memory_space<hbm>> -> memref<1x512x1x128xf32, #tpu.memory_space<hbm>>
    %dma_start3A_190 = tpu.memref_squeeze %dma_start3A_189 : memref<1x512x1x128xf32, #tpu.memory_space<hbm>> -> memref<512x128xf32, #tpu.memory_space<hbm>>
    %dma_start3A_191 = arith.constant 0 : i32
    %dma_start3A_192 = arith.constant 0 : i32
    %dma_start3A_193 = tpu.memref_slice %arg7[%shift_right_arithmetic3A_127, %dma_start3A_191, %and3A_129, %dma_start3A_192] : memref<8x512x8x128xf32, #tpu.memory_space<hbm>> -> memref<1x512x1x128xf32, #tpu.memory_space<hbm>>
    %dma_start3A_194 = tpu.memref_squeeze %dma_start3A_193 : memref<1x512x1x128xf32, #tpu.memory_space<hbm>> -> memref<512x128xf32, #tpu.memory_space<hbm>>
    tpu.enqueue_dma source(%dma_start3A_194 : memref<512x128xf32, #tpu.memory_space<hbm>>) target(%arg15 : memref<512x128xf32, #tpu.memory_space<vmem>>) target_semaphore(%arg18 : memref<!tpu.dma_semaphore, #tpu.memory_space<semaphore_mem>>)
    %mul3A_195 = arith.constant 10000 : i32
    %mul3A_196 = arith.muli %add3A_125, %mul3A_195 : i32
    %multiple_of3A_197 = tpu.assume_multiple %mul3A_196, 8 : i32
    %dma_start3A_198 = tpu.memref_slice %arg9[%multiple_of3A_197] : memref<640000xf32, #tpu.memory_space<hbm>> -> memref<10000xf32, #tpu.memory_space<hbm>>
    %dma_start3A_199 = tpu.memref_slice %arg9[%multiple_of3A_197] : memref<640000xf32, #tpu.memory_space<hbm>> -> memref<10000xf32, #tpu.memory_space<hbm>>
    tpu.enqueue_dma source(%dma_start3A_199 : memref<10000xf32, #tpu.memory_space<hbm>>) target(%arg16 : memref<10000xf32, #tpu.memory_space<vmem>>) target_semaphore(%arg19 : memref<!tpu.dma_semaphore, #tpu.memory_space<semaphore_mem>>)
    %dma_wait3A_200 = arith.constant 0 : i32
    %dma_wait3A_201 = arith.constant 0 : i32
    %dma_wait3A_202 = tpu.memref_slice %arg7[%shift_right_arithmetic3A_127, %dma_wait3A_200, %and3A_129, %dma_wait3A_201] : memref<8x512x8x128xf32, #tpu.memory_space<hbm>> -> memref<1x512x1x128xf32, #tpu.memory_space<hbm>>
    %dma_wait3A_203 = tpu.memref_squeeze %dma_wait3A_202 : memref<1x512x1x128xf32, #tpu.memory_space<hbm>> -> memref<512x128xf32, #tpu.memory_space<hbm>>
    %dma_wait3A_204 = arith.constant 0 : i32
    %dma_wait3A_205 = arith.constant 0 : i32
    %dma_wait3A_206 = tpu.memref_slice %arg7[%shift_right_arithmetic3A_127, %dma_wait3A_204, %and3A_129, %dma_wait3A_205] : memref<8x512x8x128xf32, #tpu.memory_space<hbm>> -> memref<1x512x1x128xf32, #tpu.memory_space<hbm>>
    %dma_wait3A_207 = tpu.memref_squeeze %dma_wait3A_206 : memref<1x512x1x128xf32, #tpu.memory_space<hbm>> -> memref<512x128xf32, #tpu.memory_space<hbm>>
    tpu.wait_dma2 semaphore(%arg18 : memref<!tpu.dma_semaphore, #tpu.memory_space<semaphore_mem>>) src(%dma_wait3A_207 : memref<512x128xf32, #tpu.memory_space<hbm>>) dst(%arg15 : memref<512x128xf32, #tpu.memory_space<vmem>>)
    %dma_wait3A_208 = tpu.memref_slice %arg9[%multiple_of3A_197] : memref<640000xf32, #tpu.memory_space<hbm>> -> memref<10000xf32, #tpu.memory_space<hbm>>
    %dma_wait3A_209 = tpu.memref_slice %arg9[%multiple_of3A_197] : memref<640000xf32, #tpu.memory_space<hbm>> -> memref<10000xf32, #tpu.memory_space<hbm>>
    tpu.wait_dma2 semaphore(%arg19 : memref<!tpu.dma_semaphore, #tpu.memory_space<semaphore_mem>>) src(%dma_wait3A_209 : memref<10000xf32, #tpu.memory_space<hbm>>) dst(%arg16 : memref<10000xf32, #tpu.memory_space<vmem>>)
    %parallel_loop3A_210 = arith.constant 0 : i32
    %parallel_loop3A_211 = arith.constant 1024 : i32
    %parallel_loop3A_212 = arith.constant 1 : i32
    scf.for %parallel_loop3A_213 = %parallel_loop3A_210 to %parallel_loop3A_211 step %parallel_loop3A_212  : i32 {
      %parallel_loop3A_214 = arith.constant 16 : i32
      %parallel_loop3A_215 = arith.muli %parallel_loop3A_213, %parallel_loop3A_214 : i32
      %parallel_loop3A_216 = tpu.assume_multiple %parallel_loop3A_215, 16 : i32
      %parallel_loop3A_217 = arith.index_cast %parallel_loop3A_216 : i32 to index
      %parallel_loop3A_218 = tpu.vector_load %arg12[%parallel_loop3A_217] {strides = array<i32>} : memref<16384xi32, #tpu.memory_space<vmem>>, vector<16xi32>,
      %parallel_loop3A_219 = arith.constant 7 : i32
      %parallel_loop3A_220 = vector.broadcast %parallel_loop3A_219 : i32 to vector<16xi32>
      %parallel_loop3A_221 = arith.shrsi %parallel_loop3A_218, %parallel_loop3A_220 : vector<16xi32>
      %parallel_loop3A_222 = arith.constant 127 : i32
      %parallel_loop3A_223 = vector.broadcast %parallel_loop3A_222 : i32 to vector<16xi32>
      %parallel_loop3A_224 = arith.andi %parallel_loop3A_218, %parallel_loop3A_223 : vector<16xi32>
      %parallel_loop3A_225 = tpu.vector_load_idx %arg15[%parallel_loop3A_221, %parallel_loop3A_224] : memref<512x128xf32, #tpu.memory_space<vmem>>[vector<16xi32>, vector<16xi32>], vector<16xf32>,
      %parallel_loop3A_226 = arith.index_cast %parallel_loop3A_216 : i32 to index
      %parallel_loop3A_227 = tpu.vector_load %arg13[%parallel_loop3A_226] {strides = array<i32>} : memref<16384xi32, #tpu.memory_space<vmem>>, vector<16xi32>,
      %parallel_loop3A_228 = tpu.vector_load_idx %arg16[%parallel_loop3A_227] : memref<10000xf32, #tpu.memory_space<vmem>>[vector<16xi32>], vector<16xf32>,
      %parallel_loop3A_229 = arith.constant 0.000000e+00 : f32
      %parallel_loop3A_230 = vector.broadcast %parallel_loop3A_229 : f32 to vector<16xf32>
      %parallel_loop3A_231 = arith.maximumf %parallel_loop3A_225, %parallel_loop3A_230 : vector<16xf32>
      %parallel_loop3A_232 = arith.constant 0.000000e+00 : f32
      %parallel_loop3A_233 = vector.broadcast %parallel_loop3A_232 : f32 to vector<16xf32>
      %parallel_loop3A_234 = arith.maximumf %parallel_loop3A_228, %parallel_loop3A_233 : vector<16xf32>
      %parallel_loop3A_235 = arith.mulf %parallel_loop3A_231, %parallel_loop3A_234 : vector<16xf32>
      %parallel_loop3A_236 = arith.index_cast %parallel_loop3A_216 : i32 to index
      %parallel_loop3A_237 = tpu.vector_load %arg14[%parallel_loop3A_236] {strides = array<i32>} : memref<16384xf32, #tpu.memory_space<vmem>>, vector<16xf32>,
      %parallel_loop3A_238 = arith.mulf %parallel_loop3A_235, %gather3A_144 : vector<16xf32>
      %parallel_loop3A_239 = arith.addf %parallel_loop3A_237, %parallel_loop3A_238 : vector<16xf32>
      %parallel_loop3A_240 = arith.index_cast %parallel_loop3A_216 : i32 to index
      %parallel_loop3A_241 = tpu.vector_load %arg14[%parallel_loop3A_240] {strides = array<i32>} : memref<16384xf32, #tpu.memory_space<vmem>>, vector<16xf32>,
      tpu.vector_store %arg14[%parallel_loop3A_240], %parallel_loop3A_239 {strides = array<i32>} : memref<16384xf32, #tpu.memory_space<vmem>>, vector<16xf32>,
    } {sc.loop_unroll_factor = 4 : i64, sc.parallel_access}
    "tpu.region"() ({
      %run_scoped3A = tpu.sem_alloc : memref<!tpu.dma_semaphore, #tpu.memory_space<semaphore_mem>>
      %dma_start3A_213 = arith.constant 0 : i32
      %dma_start3A_214 = tpu.memref_slice %arg11[%add3A, %dma_start3A_213] : memref<32x16384xf32, #tpu.memory_space<hbm>> -> memref<1x16384xf32, #tpu.memory_space<hbm>>
      %dma_start3A_215 = tpu.memref_squeeze %dma_start3A_214 : memref<1x16384xf32, #tpu.memory_space<hbm>> -> memref<16384xf32, #tpu.memory_space<hbm>>
      %dma_start3A_216 = arith.constant 0 : i32
      %dma_start3A_217 = tpu.memref_slice %arg11[%add3A, %dma_start3A_216] : memref<32x16384xf32, #tpu.memory_space<hbm>> -> memref<1x16384xf32, #tpu.memory_space<hbm>>
      %dma_start3A_218 = tpu.memref_squeeze %dma_start3A_217 : memref<1x16384xf32, #tpu.memory_space<hbm>> -> memref<16384xf32, #tpu.memory_space<hbm>>
      tpu.enqueue_dma source(%arg14 : memref<16384xf32, #tpu.memory_space<vmem>>) target(%dma_start3A_218 : memref<16384xf32, #tpu.memory_space<hbm>>) target_semaphore(%run_scoped3A : memref<!tpu.dma_semaphore, #tpu.memory_space<semaphore_mem>>)
      %dma_wait3A_219 = arith.constant 0 : i32
      %dma_wait3A_220 = tpu.memref_slice %arg11[%add3A, %dma_wait3A_219] : memref<32x16384xf32, #tpu.memory_space<hbm>> -> memref<1x16384xf32, #tpu.memory_space<hbm>>
      %dma_wait3A_221 = tpu.memref_squeeze %dma_wait3A_220 : memref<1x16384xf32, #tpu.memory_space<hbm>> -> memref<16384xf32, #tpu.memory_space<hbm>>
      %dma_wait3A_222 = arith.constant 0 : i32
      %dma_wait3A_223 = tpu.memref_slice %arg11[%add3A, %dma_wait3A_222] : memref<32x16384xf32, #tpu.memory_space<hbm>> -> memref<1x16384xf32, #tpu.memory_space<hbm>>
      %dma_wait3A_224 = tpu.memref_squeeze %dma_wait3A_223 : memref<1x16384xf32, #tpu.memory_space<hbm>> -> memref<16384xf32, #tpu.memory_space<hbm>>
      tpu.wait_dma2 semaphore(%run_scoped3A : memref<!tpu.dma_semaphore, #tpu.memory_space<semaphore_mem>>) src(%arg14 : memref<16384xf32, #tpu.memory_space<vmem>>) dst(%dma_wait3A_224 : memref<16384xf32, #tpu.memory_space<hbm>>)
      tpu.yield
    }) : () -> ()
    return
  }
}

</mosaic_0001>

<sc_bundles>
// kernel: _sc_run.3.cloned.1.call-start
scs
__scs_entry_jumppad:
0x0: {  	(pc) =	sbr.rel $0x88, $3  }
0x1: {  	(tag) =	ssettag $0x0;
	lr =	simm.s32 $0x1  }
0x2: {  	[smem:$0x3F98] =	sst lr;
	_ =	strace $0xD0000000  }
0x3: {  	_ = 	snop  }
0x4: {  	_ = 	snop  }
0x5: {  	_ = 	snop  }
0x6: {  	_ = 	snop  }
0x7: {  	_ = 	snop  }
__scs_overlays_trampoline_lowered:
0x8: {  	[smem:$0x3FA7] =	sst s0  }
0x9: {  	[smem:$0x3FA8] =	sst s1  }
0xa: {  	[smem:$0x3FA9] =	sst s2  }
0xb: {  	[smem:$0x3FAA] =	sst s3  }
0xc: {  	[smem:$0x3FAB] =	sst s4  }
0xd: {  	[smem:$0x3FAC] =	sst s5  }
0xe: {  	[smem:$0x3FAD] =	sst s6  }
0xf: {  	[smem:$0x3FAE] =	sst s7  }
0x10: {  	[smem:$0x3FAF] =	sst s8  }
0x11: {  	[smem:$0x3FB0] =	sst s9;
	s0 =	simm.s32 @!p0 $0x0  }
0x12: {  	s1 =	sld [smem:$0x3F96];
	s0 =	simm.s32 @p0 $0x1  }
0x13: {  	[smem:$0x3FB1] =	sst s0;
	s0 =	simm.s32 @!p1 $0x0  }
0x14: {  	s2 =	sld [smem:$0x3F95];
	s0 =	simm.s32 @p1 $0x1  }
0x15: {  	[smem:$0x3FB2] =	sst s0;
	s0 =	simm.s32 @!p2 $0x0  }
0x16: {  	s3 =	sld [smem:$0x3FDB];
	s0 =	simm.s32 @p2 $0x1  }
0x17: {  	s4 =	simm.s32 $0x1BF5;
	[smem:$0x3FB4] =	sst s0  }
0x18: {  	s0 =	sld [smem:$0x3F97];
	_ =	swait.ge [sflag:s4], $0x0  }
0x19: {  	s7 =	sld [smem:$0x3F98]  }
0x1a: {  	s8 =	sadd.s32 $0xFFFFE003, lr  }
0x1b: {  	s9 =	sadd.s32 $0xFFFFFEF7, lr;
	s5 =	simm.s32 $0xFFFFFFFF;
	p2 =	slt.u32 s8, $0xFFFFF086  }
0x1c: {  	p1 =	slt.u32 s9, $0xF7A;
	s5 =	simm.s32 @!p2 $0x0  }
0x1d: {  	s5 =	simm.s32 @p1 $0x1;
	p0 =	seq.s32 s7, s2  }
0x1e: {  	s7 =	smul.u32 @!p0 $0xF7A, s2;
	p2 =	seq.s32 @!p0 s5, $0x0  }
0x1f: {  	s9 =	smul.u32 $0xF7A, s1;
	s8 =	simm.s32 @!p0 $0x1BF5;
	p2 =	por !p2, p0  }
0x20: {  	[sflag:s8] =	ssyncset.s32 @!p0 $0xFFFFF086;
	s6 =	sadd.s32 @!p0 s3, s7;
	s7 =	simm.s32 @!p0 $0x108  }
0x21: {  	s3 =	sadd.s32 s3, s9;
	s6 =	sadd.s32 @!p0 $0x88, s6;
	s7 =	simm.s32 @p2 $0x1082  }
0x22: {  	[simem:s7], [sflag:s8] =	dma.local @!p0 [hbm:s6], $0xF7A  }
0x23: {  	s9 =	sor.u32 $0xD0000000, s2;
	s6 =	simm.s32 $0x108;
	_ =	swait.ge @!p0 [sflag:s8], $0x0  }
0x24: {  	s3 =	sadd.s32 $0x88, s3;
	s6 =	simm.s32 @!p1 $0x1082;
	[sflag:s4] =	ssyncset.s32 $0xFFFFF086  }
0x25: {  	[simem:s6], [sflag:s4] =	dma.local [hbm:s3], $0xF7A  }
0x26: {  	[smem:$0x3F98] =	sst s1;
	(tag) =	ssettag s2;
	_ =	strace s9  }
0x27: {  	s1 =	sld [smem:$0x3FA8]  }
0x28: {  	s2 =	sld [smem:$0x3FA9]  }
0x29: {  	s4 =	sld [smem:$0x3FAB]  }
0x2a: {  	p0 =	seq.s32 s5, $0x0;
	s5 =	sld [smem:$0x3FAC]  }
0x2b: {  	s6 =	sld [smem:$0x3FAD]  }
0x2c: {  	s7 =	sld [smem:$0x3FAE]  }
0x2d: {  	s3 =	simm.s32 $0x108;
	s8 =	sld [smem:$0x3FAF]  }
0x2e: {  	s3 =	simm.s32 @!p0 $0x1082;
	s9 =	sld [smem:$0x3FB0]  }
0x2f: {  	lr =	sadd.s32 s0, s3;
	s0 =	sld [smem:$0x3FA7]  }
0x30: {  	s3 =	sld [smem:$0x3FAA]  }
0x31: {  	[smem:$0x3FB3] =	sst s10  }
0x32: {  	s10 =	sld [smem:$0x3FB1];
	_ =	sdelay $0x3  }
0x33: {  	p0 =	seq.s32 s10, $0x1;
	s10 =	sld [smem:$0x3FB3];
	_ =	sdelay $0x3  }
0x34: {  	[smem:$0x3FB3] =	sst s10  }
0x35: {  	s10 =	sld [smem:$0x3FB2];
	_ =	sdelay $0x3  }
0x36: {  	p1 =	seq.s32 s10, $0x1;
	s10 =	sld [smem:$0x3FB3];
	_ =	sdelay $0x3  }
0x37: {  	[smem:$0x3FB3] =	sst s10  }
0x38: {  	s10 =	sld [smem:$0x3FB4]  }
0x39: {  	_ = 	snop;
	(pc) =	sbr.ind lr, $3  }
0x3a: {  	_ = 	snop  }
0x3b: {  	_ = 	snop  }
0x3c: {  	p2 =	seq.s32 s10, $0x1;
	s10 =	sld [smem:$0x3FB3]  }
0x3d: {  	_ =	shalt  }
0x3e: {  	_ =	shalt  }
0x3f: {  	_ =	shalt  }
0x40: {  	_ =	shalt  }
0x41: {  	_ =	shalt  }
0x42: {  	_ =	shalt  }
0x43: {  	_ =	shalt  }
0x44: {  	_ =	shalt  }
0x45: {  	_ =	shalt  }
0x46: {  	_ =	shalt  }
0x47: {  	_ =	shalt  }
0x48: {  	_ =	shalt  }
0x49: {  	_ =	shalt  }
0x4a: {  	_ =	shalt  }
0x4b: {  	_ =	shalt  }
0x4c: {  	_ =	shalt  }
0x4d: {  	_ =	shalt  }
0x4e: {  	_ =	shalt  }
0x4f: {  	_ =	shalt  }
0x50: {  	_ =	shalt  }
0x51: {  	_ =	shalt  }
0x52: {  	_ =	shalt  }
0x53: {  	_ =	shalt  }
0x54: {  	_ =	shalt  }
0x55: {  	_ =	shalt  }
0x56: {  	_ =	shalt  }
0x57: {  	_ =	shalt  }
0x58: {  	_ =	shalt  }
0x59: {  	_ =	shalt  }
0x5a: {  	_ =	shalt  }
0x5b: {  	_ =	shalt  }
0x5c: {  	_ =	shalt  }
0x5d: {  	_ =	shalt  }
0x5e: {  	_ =	shalt  }
0x5f: {  	_ =	shalt  }
0x60: {  	_ =	shalt  }
0x61: {  	_ =	shalt  }
0x62: {  	_ =	shalt  }
0x63: {  	_ =	shalt  }
0x64: {  	_ =	shalt  }
0x65: {  	_ =	shalt  }
0x66: {  	_ =	shalt  }
0x67: {  	_ =	shalt  }
0x68: {  	_ =	shalt  }
0x69: {  	_ =	shalt  }
0x6a: {  	_ =	shalt  }
0x6b: {  	_ =	shalt  }
0x6c: {  	_ =	shalt  }
0x6d: {  	_ =	shalt  }
0x6e: {  	_ =	shalt  }
0x6f: {  	_ =	shalt  }
0x70: {  	_ =	shalt  }
0x71: {  	_ =	shalt  }
0x72: {  	_ =	shalt  }
0x73: {  	_ =	shalt  }
0x74: {  	_ =	shalt  }
0x75: {  	_ =	shalt  }
0x76: {  	_ =	shalt  }
0x77: {  	_ =	shalt  }
0x78: {  	_ =	shalt  }
0x79: {  	_ =	shalt  }
0x7a: {  	_ =	shalt  }
0x7b: {  	_ =	shalt  }
0x7c: {  	_ =	shalt  }
0x7d: {  	_ =	shalt  }
0x7e: {  	_ =	shalt  }
0x7f: {  	_ =	shalt  }
0x80: {  	_ =	shalt  }
0x81: {  	_ =	shalt  }
0x82: {  	_ =	shalt  }
0x83: {  	_ =	shalt  }
0x84: {  	_ =	shalt  }
0x85: {  	_ =	shalt  }
0x86: {  	_ =	shalt  }
0x87: {  	_ =	shalt  }
.Lfunc_end0:
.L_simem_size_0:
called_computation_lowered:
.L_overlay_start_0:
0x88: {  	s2 =	sld [smem:$0x3FD9]  }
0x89: {  	s3 =	sld [smem:$0x3FFE];
	_ =	sdelay $0x1  }
0x8a: {  	s1 =	srdreg.scid  }
0x8b: {  	s0 =	sand.u32 $0x1, s1  }
0x8c: {  	s17 =	sshll.u32 s0, $0xA;
	s2 =	sadd.s32 s3, s2  }
0x8d: {  	s2 =	sadd.s32 s2, s17  }
0x8e: {  	[smem:$0x3FBF] =	sst s2  }
0x8f: {  	_ = 	snop  }
0x90: {  	s2 =	sld [smem:$0x3FC9]  }
0x91: {  	s18 =	sld [smem:$0x3FC8]  }
0x92: {  	s4 =	sld [smem:$0x3FC7]  }
0x93: {  	s5 =	sld [smem:$0x3FC6]  }
0x94: {  	s6 =	sld [smem:$0x3FC5]  }
0x95: {  	s7 =	sld [smem:$0x3FC4]  }
0x96: {  	s8 =	sld [smem:$0x3FC3]  }
0x97: {  	s9 =	sld [smem:$0x3FC2]  }
0x98: {  	s10 =	sld [smem:$0x3FC1];
	(tm) =	ssettm $0x1  }
0x99: {  	s11 =	sld [smem:$0x3FFB];
	_ =	sdelay $0x3  }
0x9a: {  	_ =	strace s11  }
0x9b: {  	s11 =	sld [smem:$0x3FFC];
	_ =	sdelay $0x3  }
0x9c: {  	_ =	strace s11  }
0x9d: {  	s11 =	sld [smem:$0x3FFD];
	_ =	sdelay $0x3  }
0x9e: {  	_ =	strace s11  }
0x9f: {  	_ =	strace $0x8FFFFFFF  }
0xa0: {  	s19 =	sld [smem:$0x3FDB];
	_ =	sdelay $0x1  }
0xa1: {  	s12 =	simm.s32 $_scs_section_size  }
0xa2: {  	s13 =	simm.s32 $_size__tile_overlayer_lowered;
	s14 =	simm.s32 $_tile_overlayer_lowered  }
0xa3: {  	s22 =	simm.s32 $0x1BFF;
	s21 =	sshll.u32 s14, $0x1;
	s11 =	sadd.s32 s12, s19  }
0xa4: {  	s15 =	simm.s32 $0x0;
	s20 =	sshll.u32 s13, $0x1;
	s13 =	sadd.s32 s21, s11  }
0xa5: {  	[timem:s15], [sflag:s22] =	dma.local [hbm:s13], s20  }
0xa6: {  	_ =	swait.ge [sflag:s22], s20  }
0xa7: {  	s12 =	ssub.s32 $0x0, s20;
	[sflag:s22] =	ssyncset.done $0x0  }
0xa8: {  	[sflag:s22] =	ssyncadd.s32 s12;
	_ =	sdelay $0x1  }
0xa9: {  	s23 =	simm.s32 $0x1B8B  }
0xaa: {  	_ =	swait.ge [sflag:s23], $0x1  }
0xab: {  	[sflag:s23] =	ssyncset.done $0x0  }
0xac: {  	s25 =	simm.s32 $0x1B8E;
	s24 =	sld [smem:$0x3FFE];
	[sflag:s23] =	ssyncadd.s32 $0xFFFFFFFF  }
0xad: {  	s26 =	simm.s32 $execute0_lowered;
	[smem:$0x3FD2] =	sst s25  }
0xae: {  	s13 =	sshll.u32 s26, $0x1;
	_ =	strace $0x80000046;
	[dreg:$0x1] =	wrdreg $0xFFFFFFFF  }
0xaf: {  	s28 =	simm.s32 $_size_execute0_lowered;
	s11 =	sadd.s32 s11, s13;
	[dreg:$0x0] =	wrdreg $0x0  }
0xb0: {  	s13 =	sshll.u32 s28, $0x1;
	[dreg:$0x2] =	wrdreg s11  }
0xb1: {  	[dreg:$0x3] =	wrdreg s13  }
0xb2: {  	[dreg:$0x4] =	wrdreg $0xC0  }
0xb3: {  	_ =	task [dreg:s15], $0x5FFFF  }
0xb4: {  	[dreg:$0x1] =	wrdreg $0xFFFFFFFF  }
0xb5: {  	[dreg:$0x0] =	wrdreg $0x60  }
0xb6: {  	[dreg:$0x2] =	wrdreg s2  }
0xb7: {  	[dreg:$0x3] =	wrdreg s18  }
0xb8: {  	[dreg:$0x4] =	wrdreg s4  }
0xb9: {  	[dreg:$0x5] =	wrdreg s5  }
0xba: {  	[dreg:$0x6] =	wrdreg s6  }
0xbb: {  	[dreg:$0x7] =	wrdreg s7  }
0xbc: {  	[dreg:$0x8] =	wrdreg s8  }
0xbd: {  	[dreg:$0x9] =	wrdreg s9  }
0xbe: {  	[dreg:$0xa] =	wrdreg s10  }
0xbf: {  	[dreg:$0xb] =	wrdreg s24  }
0xc0: {  	[dreg:$0xc] =	wrdreg $0x9  }
0xc1: {  	_ =	task.clear_ibuf [dreg:s15], $0xDFFFF;
	_ =	strace $0x90000046  }
0xc2: {  	s29 =	simm.s32 $0x9;
	_ =	strace $0x80000048  }
0xc3: {  	_ =	swait.ge [sflag:s29], $0x1  }
0xc4: {  	[sflag:s29] =	ssyncadd.s32 $0xFFFFFFFF  }
0xc5: {  	_ =	strace $0x90000048  }
0xc6: {  	_ =	sfence  }
0xc7: {  	s30 =	sld [smem:$0x0];
	_ =	sdelay $0x2  }
0xc8: {  	s31 =	sshll.u32 s1, $0xD;
	s1 =	sshrl.u32 s1, $0x2  }
0xc9: {  	s3 =	sand.u32 $0x4000, s31;
	s1 =	sadd.s32 s1, s30  }
0xca: {  	s0 =	sor.u32 s3, s0;
	s1 =	sshll.u32 s1, $0x11  }
0xcb: {  	s0 =	sor.u32 s1, s0  }
0xcc: {  	s0 =	sadd.s32 $0x8F2B, s0  }
0xcd: {  	[sflag:s0] =	ssyncadd.remote.s32 $0x1  }
0xce: {  	_ =	sfence.sel $0xFFFF  }
0xcf: {  	[dreg:$0x0] =	wrdreg $0xFFFFFFFF;
	(pc) =	sbr.abs _section_cstart, $3  }
0xd0: {  	[dreg:$0x1] =	wrdreg $0xFFFFFFFF  }
0xd1: {  	_ =	task.clear_ibuf [dreg:s15], $0x2FFFF;
	_ =	strace $0x9FFFFFFF  }
0xd2: {  	(tm) =	ssettm $0x7FFFFFFF  }
0xd3: {  	_ =	shalt  }
tec
execute0_lowered:
.L_overlay_start_1:
0x0: {  	(tag) =	ssettag $0x1  }
0x1: {  	s0 =	rddreg [dreg:$0x2]  }
0x2: {  	s1 =	rddreg [dreg:$0x3]  }
0x3: {  	s2 =	rddreg [dreg:$0x4]  }
0x4: {  	s3 =	rddreg [dreg:$0x5]  }
0x5: {  	s15 =	rddreg [dreg:$0x6]  }
0x6: {  	s17 =	rddreg [dreg:$0x7]  }
0x7: {  	s4 =	rddreg [dreg:$0x8]  }
0x8: {  	s6 =	rddreg [dreg:$0x9]  }
0x9: {  	s7 =	srdreg.scid;
	s10 =	stileid.u32;
	s5 =	simm.s32 $0x0  }
0xa: {  	s28 =	simm.s32 $0x1;
	s29 =	simm.s32 $0x2;
	s30 =	simm.s32 $0x8000  }
0xb: {  	s31 =	simm.s32 $0x0;
	s7 =	sand.u32 $0x1, s7;
	s8 =	sshll.u32 s10, $0x1  }
0xc: {  	[smem:$0x7FF] =	sst s5;
	s10 =	sshll.u32 s10, $0x12;
	s8 =	sor.u32 s7, s8  }
0xd: {  	_ =	strace $0x80000047;
	s7 =	ssub.s32 $0x2, s7;
	s9 =	sshll.u32 s8, $0xB  }
0xe: {  	s11 =	sshll.u32 s8, $0x8;
	s20 =	sshrl.u32 s7, $0x1;
	s25 =	sshllo.u32 s8, $0x1  }
0xf: {  	s12 =	smul.u32 $0x9C4, s8;
	s18 =	sadd.s32 s9, s6;
	s21 =	sor.u32 s10, s11  }
0x10: {  	s19 =	ssub.s32 s7, s20;
	s24 =	sshll.u32 s25, $0x7;
	s20 =	smul.u32 $0x4E2, s25  }
0x11: {  	v2 =	vmov s25;
	s25 =	simm.s32 $0x3;
	s22 =	sand.u32 $0x380300, s21;
	s26 =	sor.u32 s10, s24  }
0x12: {  	s7 =	sadd.s32 s1, s12;
	s9 =	sadd.s32 s15, s12;
	s11 =	sadd.s32 s17, s12  }
0x13: {  	s18 =	sadd.s32 $0x400, s18;
	s19 =	smax.u32 s19, $0x1;
	s21 =	simm.s32 $0x400  }
0x14: {  	s24 =	simm.s32 $0x1E710;
	s23 =	sshrl.u32 s22, $0x3;
	s22 =	sshll.u32 s8, $0x1  }
0x15: {  	s10 =	sand.u32 $0x380380, s26;
	s13 =	sadd.s32 s1, s20;
	s15 =	sadd.s32 s15, s20  }
0x16: {  	s17 =	sadd.s32 s17, s20;
	s20 =	simm.s32 $0x80;
	s26 =	simm.s32 $0x4000  }
0x17: {  	s6 =	sadd.s32 s0, s23;
	s8 =	sadd.s32 s2, s23;
	s16 =	sshrl.u32 s10, $0x3  }
0x18: {  	v4 =	vor.u32 $0x40, v2;
	s10 =	sadd.s32 s3, s23;
	v0 =	vmov s22;
	s22 =	simm.s32 $0xC000;
	s23 =	simm.s32 $0x1C000  }
0x19: {  	v5 =	vor.u32 $0x80, v2;
	s12 =	sadd.s32 s0, s16;
	s14 =	sadd.s32 s2, s16;
	s16 =	sadd.s32 s3, s16;
	v1 =	vor.u32 $0x40, v0;
	v3 =	vor.u32 $0x80, v0  }
.LBB2_1:
0x1a: {  	[tilespmem:s22], [sflag:$0x1] =	stream.strided.gather [hbm4b:s6+s20], $0x10000, s21, s20, $0x38;
	[tilespmem:$0x1E7D0] =	vst v63  }
0x1b: {  	_ = 	snop  }
0x1c: {  	[tilespmem:s23], [sflag:$0x2] =	stream.linear.gather [hbm4b:s7+s5], $0x2710, $0x38;
	[tilespmem:$0x1E7D0] =	vst v63  }
0x1d: {  	_ = 	snop  }
0x1e: {  	[tilespmem:s24], [sflag:$0x3] =	stream.linear.gather [hbm4b:s4+s5], $0xC0, $0x38;
	[tilespmem:$0x1E7D0] =	vst v63  }
0x1f: {  	_ =	swait.ge [sflag:s25], $0xC0  }
0x20: {  	[sflag:s25] =	ssyncset.done $0x0  }
0x21: {  	[sflag:s25] =	ssyncadd.s32 $0xFFFFFF40  }
0x22: {  	s0 =	rddreg [dreg:$0x0]  }
0x23: {  	[tilespmem:s5], [sflag:$0x3] =	stream.linear.gather [hbm4b:s0+s5], $0x4000, $0x38;
	[tilespmem:$0x1E7D0] =	vst v63  }
0x24: {  	_ =	swait.ge [sflag:s25], $0x4000  }
0x25: {  	[sflag:s25] =	ssyncset.done $0x0  }
0x26: {  	[sflag:s25] =	ssyncadd.s32 $0xFFFFC000  }
0x27: {  	s1 =	rddreg [dreg:$0x1]  }
0x28: {  	[tilespmem:s26], [sflag:$0x3] =	stream.linear.gather [hbm4b:s1+s5], $0x4000, $0x38;
	[tilespmem:$0x1E7D0] =	vst v63  }
0x29: {  	_ =	swait.ge [sflag:s25], $0x4000  }
0x2a: {  	[sflag:s25] =	ssyncset.done $0x0  }
0x2b: {  	[sflag:s25] =	ssyncadd.s32 $0xFFFFC000  }
0x2c: {  	v8 =	vld.idx.msk [tilespmem:v0+s24+$0x0], $0xffff  }
0x2d: {  	v7 =	vld.idx.msk [tilespmem:v1+s24+$0x0], $0xffff  }
0x2e: {  	v6 =	vld.idx.msk [tilespmem:v3+s24+$0x0], $0xffff;
	_ =	swait.ge [sflag:s28], $0x10000  }
0x2f: {  	[sflag:s28] =	ssyncset.done $0x0  }
0x30: {  	s2 =	simm.s32 $0x20;
	[sflag:s28] =	ssyncadd.s32 $0xFFFF0000  }
0x31: {  	v9 =	vld [tilespmem:s2+$0x10];
	_ =	sdelay $0x3  }
0x32: {  	v11 =	vld [tilespmem:s2+$0xFFFFFFE0]  }
0x33: {  	v12 =	vld [tilespmem:s2+$0xFFFFFFF0]  }
0x34: {  	s3 =	simm.s32 $0x60;
	v14 =	vld [tilespmem:s2+$0x0]  }
0x35: {  	v16 =	vld [tilespmem:s3+$0x10]  }
0x36: {  	v17 =	vld.idx.msk [tilespmem:v9+s22+$0x0], $0xffff  }
0x37: {  	v10 =	vld [tilespmem:s3+$0xFFFFFFF0]  }
0x38: {  	v15 =	vld [tilespmem:s3+$0xFFFFFFE0]  }
0x39: {  	v9 =	vld [tilespmem:s3+$0x0]  }
0x3a: {  	v13 =	vld.idx.msk [tilespmem:v11+s22+$0x0], $0xffff  }
0x3b: {  	v11 =	vld.idx.msk [tilespmem:v12+s22+$0x0], $0xffff;
	v17 =	vmul.f32 v17, v8  }
0x3c: {  	s0 =	simm.s32 $0x8020;
	v12 =	vld.idx.msk [tilespmem:v14+s22+$0x0], $0xffff  }
0x3d: {  	s1 =	simm.s32 $0x4;
	s2 =	simm.s32 $0xA0;
	v14 =	vld.idx.msk [tilespmem:v16+s22+$0x0], $0xffff;
	[tilespmem:s0+$0x10] =	vst v17  }
.LBB2_2:
0x3e: {  	v16 =	vld [tilespmem:s2+$0x10];
	s1 =	sadd.s32 $0x4, s1  }
0x3f: {  	v13 =	vmul.f32 v13, v8;
	v17 =	vld [tilespmem:s2+$0xFFFFFFF0];
	p0 =	slt.u32 s1, $0x3FC  }
0x40: {  	v11 =	vmul.f32 v11, v8;
	v18 =	vld [tilespmem:s2+$0x0]  }
0x41: {  	v12 =	vmul.f32 v12, v8;
	v19 =	vld [tilespmem:s2+$0xFFFFFFE0];
	[tilespmem:s0+$0xFFFFFFE0] =	vst v13  }
.Ltmp0:
0x42: {  	v13 =	vld.idx.msk [tilespmem:v15+s22+$0x0], $0xffff;
	[tilespmem:s0+$0xFFFFFFF0] =	vst v11;
	(pc) =	sbr.rel @p0 .LBB2_2-.Ltmp0, $4  }
0x43: {  	v14 =	vmul.f32 v14, v8;
	v11 =	vld.idx.msk [tilespmem:v10+s22+$0x0], $0xffff;
	[tilespmem:s0+$0x0] =	vst v12  }
0x44: {  	s0 =	sadd.s32 $0x40, s0;
	v12 =	vld.idx.msk [tilespmem:v9+s22+$0x0], $0xffff;
	v10 =	vmov v17  }
0x45: {  	[tilespmem:s0+$0x10] =	vst v14;
	v9 =	vmov v18  }
0x46: {  	s2 =	sadd.s32 $0x40, s2;
	v14 =	vld.idx.msk [tilespmem:v16+s22+$0x0], $0xffff;
	v15 =	vmov v19  }
0x47: {  	_ =	sdelay $0x3  }
0x48: {  	v15 =	vld.idx.msk [tilespmem:v15+s22+$0x0], $0xffff  }
0x49: {  	v13 =	vmul.f32 v13, v8;
	v10 =	vld.idx.msk [tilespmem:v10+s22+$0x0], $0xffff  }
0x4a: {  	v9 =	vld.idx.msk [tilespmem:v9+s22+$0x0], $0xffff;
	v11 =	vmul.f32 v11, v8  }
0x4b: {  	[tilespmem:s0+$0xFFFFFFE0] =	vst v13;
	v12 =	vmul.f32 v12, v8  }
0x4c: {  	[tilespmem:s0+$0xFFFFFFF0] =	vst v11;
	v11 =	vmul.f32 v14, v8  }
0x4d: {  	s1 =	sadd.s32 $0x40, s0;
	[tilespmem:s0+$0x0] =	vst v12;
	v12 =	vmul.f32 v15, v8  }
0x4e: {  	v10 =	vmul.f32 v10, v8;
	[tilespmem:s1+$0x10] =	vst v11  }
0x4f: {  	v8 =	vmul.f32 v9, v8;
	[tilespmem:s1+$0xFFFFFFE0] =	vst v12  }
0x50: {  	[tilespmem:s1+$0xFFFFFFF0] =	vst v10  }
0x51: {  	[tilespmem:s1+$0x0] =	vst v8  }
0x52: {  	[tilespmem:s22], [sflag:$0x1] =	stream.strided.gather [hbm4b:s8+s20], $0x10000, s21, s20, $0x38;
	[tilespmem:$0x1E7D0] =	vst v63  }
0x53: {  	_ =	swait.ge [sflag:s29], $0x2710  }
0x54: {  	[sflag:s29] =	ssyncset.done $0x0  }
0x55: {  	s2 =	simm.s32 $0x4020;
	[sflag:s29] =	ssyncadd.s32 $0xFFFFD8F0  }
0x56: {  	v8 =	vld [tilespmem:s2+$0x10]  }
0x57: {  	v9 =	vld [tilespmem:s2+$0xFFFFFFF0]  }
0x58: {  	v10 =	vld [tilespmem:s2+$0x0]  }
0x59: {  	s3 =	simm.s32 $0x4060;
	v11 =	vld [tilespmem:s2+$0xFFFFFFE0]  }
0x5a: {  	v16 =	vld [tilespmem:s3+$0x10]  }
0x5b: {  	v17 =	vld [tilespmem:s3+$0xFFFFFFF0]  }
0x5c: {  	s2 =	simm.s32 $0x8020;
	v18 =	vld [tilespmem:s3+$0x0]  }
0x5d: {  	v15 =	vld [tilespmem:s2+$0x10]  }
0x5e: {  	v20 =	vld [tilespmem:s2+$0xFFFFFFF0]  }
0x5f: {  	v13 =	vld [tilespmem:s2+$0x0]  }
0x60: {  	v12 =	vld.idx.msk [tilespmem:v8+s23+$0x0], $0xffff  }
0x61: {  	v9 =	vld.idx.msk [tilespmem:v9+s23+$0x0], $0xffff  }
0x62: {  	v14 =	vld.idx.msk [tilespmem:v10+s23+$0x0], $0xffff  }
0x63: {  	v19 =	vld.idx.msk [tilespmem:v11+s23+$0x0], $0xffff  }
0x64: {  	v8 =	vld [tilespmem:s3+$0xFFFFFFE0]  }
0x65: {  	v10 =	vld [tilespmem:s2+$0xFFFFFFE0];
	v11 =	vmul.f32 v12, v7  }
0x66: {  	v12 =	vld.idx.msk [tilespmem:v16+s23+$0x0], $0xffff  }
0x67: {  	v16 =	vmul.f32 v9, v7;
	v9 =	vld.idx.msk [tilespmem:v18+s23+$0x0], $0xffff;
	v15 =	vadd.f32 v11, v15  }
0x68: {  	s0 =	simm.s32 $0x8060;
	v14 =	vmul.f32 v14, v7;
	v11 =	vld.idx.msk [tilespmem:v17+s23+$0x0], $0xffff;
	v17 =	vmul.f32 v19, v7  }
0x69: {  	s1 =	simm.s32 $0x4;
	s3 =	simm.s32 $0x40A0;
	v16 =	vadd.f32 v16, v20;
	[tilespmem:s2+$0x10] =	vst v15;
	v15 =	vld [tilespmem:s0+$0x10]  }
.LBB2_4:
0x6a: {  	v18 =	vld [tilespmem:s3+$0x10];
	s1 =	sadd.s32 $0x4, s1;
	v10 =	vadd.f32 v17, v10;
	v13 =	vadd.f32 v14, v13  }
0x6b: {  	v17 =	vld [tilespmem:s3+$0xFFFFFFF0];
	p0 =	slt.u32 s1, $0x3FC;
	[tilespmem:s2+$0xFFFFFFF0] =	vst v16  }
0x6c: {  	v12 =	vmul.f32 v12, v7;
	v16 =	vld [tilespmem:s3+$0x0];
	[tilespmem:s2+$0xFFFFFFE0] =	vst v10  }
0x6d: {  	v20 =	vmul.f32 v11, v7;
	v19 =	vld [tilespmem:s3+$0xFFFFFFE0];
	[tilespmem:s2+$0x0] =	vst v13;
	s2 =	smov.u32 s0  }
0x6e: {  	v14 =	vmul.f32 v9, v7;
	v21 =	vld.idx.msk [tilespmem:v8+s23+$0x0], $0xffff;
	v8 =	vadd.f32 v12, v15  }
0x6f: {  	v10 =	vld [tilespmem:s0+$0xFFFFFFE0]  }
0x70: {  	v22 =	vld [tilespmem:s0+$0xFFFFFFF0];
	[tilespmem:s0+$0x10] =	vst v8  }
.Ltmp1:
0x71: {  	v13 =	vld [tilespmem:s0+$0x0];
	(pc) =	sbr.rel @p0 .LBB2_4-.Ltmp1, $4  }
0x72: {  	v12 =	vld.idx.msk [tilespmem:v18+s23+$0x0], $0xffff;
	v8 =	vmov v19  }
0x73: {  	v11 =	vld.idx.msk [tilespmem:v17+s23+$0x0], $0xffff  }
0x74: {  	s0 =	sadd.s32 $0x40, s0;
	v17 =	vmul.f32 v21, v7;
	v9 =	vld.idx.msk [tilespmem:v16+s23+$0x0], $0xffff  }
0x75: {  	s3 =	sadd.s32 $0x40, s3;
	v15 =	vld [tilespmem:s0+$0x10];
	v16 =	vadd.f32 v20, v22  }
0x76: {  	_ =	sdelay $0x3  }
0x77: {  	v8 =	vld.idx.msk [tilespmem:v8+s23+$0x0], $0xffff  }
0x78: {  	v18 =	vld [tilespmem:s0+$0xFFFFFFF0]  }
0x79: {  	v19 =	vld [tilespmem:s0+$0xFFFFFFE0]  }
0x7a: {  	v10 =	vadd.f32 v17, v10;
	v17 =	vld [tilespmem:s0+$0x0];
	v12 =	vmul.f32 v12, v7  }
0x7b: {  	v13 =	vadd.f32 v14, v13;
	[tilespmem:s2+$0xFFFFFFF0] =	vst v16;
	v11 =	vmul.f32 v11, v7  }
0x7c: {  	[tilespmem:s2+$0xFFFFFFE0] =	vst v10;
	v10 =	vadd.f32 v12, v15;
	v8 =	vmul.f32 v8, v7  }
0x7d: {  	[tilespmem:s2+$0x0] =	vst v13;
	v7 =	vmul.f32 v9, v7;
	v9 =	vadd.f32 v11, v18  }
0x7e: {  	[tilespmem:s0+$0x10] =	vst v10;
	v8 =	vadd.f32 v8, v19  }
0x7f: {  	v7 =	vadd.f32 v7, v17;
	[tilespmem:s0+$0xFFFFFFF0] =	vst v9  }
0x80: {  	[tilespmem:s0+$0xFFFFFFE0] =	vst v8  }
0x81: {  	[tilespmem:s0+$0x0] =	vst v7  }
0x82: {  	[tilespmem:s23], [sflag:$0x2] =	stream.linear.gather [hbm4b:s9+s5], $0x2710, $0x38;
	[tilespmem:$0x1E7D0] =	vst v63  }
0x83: {  	_ =	swait.ge [sflag:s28], $0x10000  }
0x84: {  	[sflag:s28] =	ssyncset.done $0x0  }
0x85: {  	[sflag:s28] =	ssyncadd.s32 $0xFFFF0000  }
0x86: {  	_ =	swait.ge [sflag:s29], $0x2710  }
0x87: {  	[sflag:s29] =	ssyncset.done $0x0  }
0x88: {  	s2 =	simm.s32 $0x20;
	[sflag:s29] =	ssyncadd.s32 $0xFFFFD8F0  }
0x89: {  	s3 =	simm.s32 $0x4020;
	v7 =	vld [tilespmem:s2+$0x10]  }
0x8a: {  	v8 =	vld [tilespmem:s3+$0x10]  }
0x8b: {  	v9 =	vld [tilespmem:s3+$0xFFFFFFE0]  }
0x8c: {  	v10 =	vld [tilespmem:s2+$0xFFFFFFF0]  }
0x8d: {  	v11 =	vld [tilespmem:s3+$0xFFFFFFF0]  }
0x8e: {  	v12 =	vld [tilespmem:s2+$0x0]  }
0x8f: {  	v13 =	vld [tilespmem:s3+$0x0]  }
0x90: {  	v14 =	vld [tilespmem:s2+$0xFFFFFFE0]  }
0x91: {  	v7 =	vld.idx.msk [tilespmem:v7+s22+$0x0], $0xffff  }
0x92: {  	v8 =	vld.idx.msk [tilespmem:v8+s23+$0x0], $0xffff  }
0x93: {  	v15 =	vld.idx.msk [tilespmem:v9+s23+$0x0], $0xffff  }
0x94: {  	v16 =	vld.idx.msk [tilespmem:v10+s22+$0x0], $0xffff  }
0x95: {  	v17 =	vld.idx.msk [tilespmem:v11+s23+$0x0], $0xffff  }
0x96: {  	v12 =	vld.idx.msk [tilespmem:v12+s22+$0x0], $0xffff  }
0x97: {  	s2 =	simm.s32 $0x8020;
	v10 =	vld.idx.msk [tilespmem:v13+s23+$0x0], $0xffff  }
0x98: {  	v11 =	vld [tilespmem:s2+$0x10];
	v7 =	vmax.f32 v7, $0.0e+00;
	v8 =	vmax.f32 v8, $0.0e+00  }
0x99: {  	v9 =	vld.idx.msk [tilespmem:v14+s22+$0x0], $0xffff;
	v14 =	vmul.f32 v8, v7  }
0x9a: {  	v13 =	vld [tilespmem:s2+$0xFFFFFFF0];
	v8 =	vmax.f32 v15, $0.0e+00  }
0x9b: {  	v7 =	vld [tilespmem:s2+$0xFFFFFFE0];
	v15 =	vmax.f32 v16, $0.0e+00;
	v16 =	vmax.f32 v17, $0.0e+00;
	v14 =	vmul.f32 v14, v6  }
0x9c: {  	s1 =	simm.s32 $0x60;
	s0 =	simm.s32 $0x0;
	v15 =	vmul.f32 v16, v15;
	v16 =	vmax.f32 v12, $0.0e+00;
	v12 =	vld [tilespmem:s2+$0x0]  }
.LBB2_6:
0x9d: {  	v17 =	vld [tilespmem:s1+$0x10];
	v10 =	vmax.f32 v10, $0.0e+00;
	v11 =	vadd.f32 v14, v11;
	s3 =	sadd.s32 $0x40, s3  }
0x9e: {  	s0 =	sadd.s32 $0x4, s0;
	v14 =	vld [tilespmem:s3+$0x10];
	v15 =	vmul.f32 v15, v6;
	v10 =	vmul.f32 v10, v16  }
0x9f: {  	p0 =	slt.u32 s0, $0x3FC;
	v9 =	vmax.f32 v9, $0.0e+00;
	v16 =	vld [tilespmem:s3+$0xFFFFFFE0];
	[tilespmem:s2+$0x10] =	vst v11  }
0xa0: {  	v8 =	vmul.f32 v8, v9;
	v11 =	vld [tilespmem:s1+$0xFFFFFFF0];
	v9 =	vadd.f32 v15, v13;
	v10 =	vmul.f32 v10, v6  }
0xa1: {  	v13 =	vld [tilespmem:s3+$0xFFFFFFF0]  }
0xa2: {  	v8 =	vmul.f32 v8, v6;
	v15 =	vld [tilespmem:s1+$0x0];
	[tilespmem:s2+$0xFFFFFFF0] =	vst v9;
	v9 =	vadd.f32 v10, v12  }
0xa3: {  	v10 =	vld [tilespmem:s3+$0x0]  }
0xa4: {  	v7 =	vadd.f32 v8, v7;
	v12 =	vld [tilespmem:s1+$0xFFFFFFE0];
	[tilespmem:s2+$0x0] =	vst v9  }
0xa5: {  	v8 =	vld.idx.msk [tilespmem:v17+s22+$0x0], $0xffff  }
0xa6: {  	v9 =	vld.idx.msk [tilespmem:v14+s23+$0x0], $0xffff;
	[tilespmem:s2+$0xFFFFFFE0] =	vst v7  }
0xa7: {  	v7 =	vld.idx.msk [tilespmem:v16+s23+$0x0], $0xffff  }
0xa8: {  	v14 =	vld.idx.msk [tilespmem:v11+s22+$0x0], $0xffff  }
0xa9: {  	v13 =	vld.idx.msk [tilespmem:v13+s23+$0x0], $0xffff  }
0xaa: {  	v16 =	vld.idx.msk [tilespmem:v15+s22+$0x0], $0xffff  }
0xab: {  	s2 =	sadd.s32 $0x40, s2;
	v10 =	vld.idx.msk [tilespmem:v10+s23+$0x0], $0xffff  }
.Ltmp2:
0xac: {  	v15 =	vmax.f32 v8, $0.0e+00;
	v17 =	vmax.f32 v9, $0.0e+00;
	v11 =	vld [tilespmem:s2+$0x10];
	(pc) =	sbr.rel @p0 .LBB2_6-.Ltmp2, $4  }
0xad: {  	v8 =	vmax.f32 v7, $0.0e+00;
	v9 =	vld.idx.msk [tilespmem:v12+s22+$0x0], $0xffff;
	v12 =	vmul.f32 v17, v15  }
0xae: {  	v15 =	vmax.f32 v14, $0.0e+00;
	v7 =	vld [tilespmem:s2+$0xFFFFFFE0]  }
0xaf: {  	v17 =	vmax.f32 v13, $0.0e+00;
	v13 =	vld [tilespmem:s2+$0xFFFFFFF0];
	v14 =	vmul.f32 v12, v6  }
0xb0: {  	s1 =	sadd.s32 $0x40, s1;
	v15 =	vmul.f32 v17, v15;
	v16 =	vmax.f32 v16, $0.0e+00;
	v12 =	vld [tilespmem:s2+$0x0]  }
0xb1: {  	v10 =	vmax.f32 v10, $0.0e+00  }
0xb2: {  	v10 =	vmul.f32 v10, v16;
	v9 =	vmax.f32 v9, $0.0e+00  }
0xb3: {  	v15 =	vmul.f32 v15, v6;
	v8 =	vmul.f32 v8, v9  }
0xb4: {  	v9 =	vadd.f32 v14, v11;
	v10 =	vmul.f32 v10, v6  }
0xb5: {  	v11 =	vadd.f32 v15, v13;
	v8 =	vmul.f32 v8, v6  }
0xb6: {  	[tilespmem:s2+$0x10] =	vst v9;
	v9 =	vadd.f32 v10, v12  }
0xb7: {  	[tilespmem:s2+$0xFFFFFFF0] =	vst v11;
	v7 =	vadd.f32 v8, v7  }
0xb8: {  	[tilespmem:s2+$0x0] =	vst v9  }
0xb9: {  	[tilespmem:s2+$0xFFFFFFE0] =	vst v7  }
0xba: {  	[tilespmem:s22], [sflag:$0x1] =	stream.strided.gather [hbm4b:s10+s20], $0x10000, s21, s20, $0x38;
	[tilespmem:$0x1E7D0] =	vst v63  }
0xbb: {  	_ = 	snop  }
0xbc: {  	[tilespmem:s23], [sflag:$0x2] =	stream.linear.gather [hbm4b:s11+s5], $0x2710, $0x38;
	[tilespmem:$0x1E7D0] =	vst v63  }
0xbd: {  	_ =	swait.ge [sflag:s28], $0x10000  }
0xbe: {  	[sflag:s28] =	ssyncset.done $0x0  }
0xbf: {  	[sflag:s28] =	ssyncadd.s32 $0xFFFF0000  }
0xc0: {  	_ =	swait.ge [sflag:s29], $0x2710  }
0xc1: {  	[sflag:s29] =	ssyncset.done $0x0  }
0xc2: {  	s0 =	simm.s32 $0x20;
	[sflag:s29] =	ssyncadd.s32 $0xFFFFD8F0  }
0xc3: {  	s3 =	simm.s32 $0x4020;
	v7 =	vld [tilespmem:s0+$0x10]  }
0xc4: {  	v8 =	vld [tilespmem:s3+$0x10]  }
0xc5: {  	v9 =	vld [tilespmem:s3+$0xFFFFFFE0]  }
0xc6: {  	v10 =	vld [tilespmem:s0+$0xFFFFFFF0]  }
0xc7: {  	v11 =	vld [tilespmem:s3+$0xFFFFFFF0]  }
0xc8: {  	v12 =	vld [tilespmem:s0+$0x0]  }
0xc9: {  	v13 =	vld [tilespmem:s3+$0x0]  }
0xca: {  	v14 =	vld [tilespmem:s0+$0xFFFFFFE0]  }
0xcb: {  	v7 =	vld.idx.msk [tilespmem:v7+s22+$0x0], $0xffff  }
0xcc: {  	v8 =	vld.idx.msk [tilespmem:v8+s23+$0x0], $0xffff  }
0xcd: {  	v15 =	vld.idx.msk [tilespmem:v9+s23+$0x0], $0xffff  }
0xce: {  	v16 =	vld.idx.msk [tilespmem:v10+s22+$0x0], $0xffff  }
0xcf: {  	v17 =	vld.idx.msk [tilespmem:v11+s23+$0x0], $0xffff  }
0xd0: {  	v12 =	vld.idx.msk [tilespmem:v12+s22+$0x0], $0xffff  }
0xd1: {  	s2 =	simm.s32 $0x8020;
	v10 =	vld.idx.msk [tilespmem:v13+s23+$0x0], $0xffff  }
0xd2: {  	v11 =	vld [tilespmem:s2+$0x10];
	v7 =	vmax.f32 v7, $0.0e+00;
	v8 =	vmax.f32 v8, $0.0e+00  }
0xd3: {  	v9 =	vld.idx.msk [tilespmem:v14+s22+$0x0], $0xffff;
	v14 =	vmul.f32 v8, v7  }
0xd4: {  	v13 =	vld [tilespmem:s2+$0xFFFFFFF0];
	v8 =	vmax.f32 v15, $0.0e+00  }
0xd5: {  	v7 =	vld [tilespmem:s2+$0xFFFFFFE0];
	v15 =	vmax.f32 v16, $0.0e+00;
	v16 =	vmax.f32 v17, $0.0e+00;
	v14 =	vmul.f32 v14, v6  }
0xd6: {  	s1 =	simm.s32 $0x60;
	s0 =	simm.s32 $0x0;
	v15 =	vmul.f32 v16, v15;
	v16 =	vmax.f32 v12, $0.0e+00;
	v12 =	vld [tilespmem:s2+$0x0]  }
.LBB2_8:
0xd7: {  	v17 =	vld [tilespmem:s1+$0x10];
	v10 =	vmax.f32 v10, $0.0e+00;
	v11 =	vadd.f32 v14, v11;
	s3 =	sadd.s32 $0x40, s3  }
0xd8: {  	s0 =	sadd.s32 $0x4, s0;
	v14 =	vld [tilespmem:s3+$0x10];
	v15 =	vmul.f32 v15, v6;
	v10 =	vmul.f32 v10, v16  }
0xd9: {  	p0 =	slt.u32 s0, $0x3FC;
	v9 =	vmax.f32 v9, $0.0e+00;
	v16 =	vld [tilespmem:s3+$0xFFFFFFE0];
	[tilespmem:s2+$0x10] =	vst v11  }
0xda: {  	v8 =	vmul.f32 v8, v9;
	v11 =	vld [tilespmem:s1+$0xFFFFFFF0];
	v9 =	vadd.f32 v15, v13;
	v10 =	vmul.f32 v10, v6  }
0xdb: {  	v13 =	vld [tilespmem:s3+$0xFFFFFFF0]  }
0xdc: {  	v8 =	vmul.f32 v8, v6;
	v15 =	vld [tilespmem:s1+$0x0];
	[tilespmem:s2+$0xFFFFFFF0] =	vst v9;
	v9 =	vadd.f32 v10, v12  }
0xdd: {  	v10 =	vld [tilespmem:s3+$0x0]  }
0xde: {  	v7 =	vadd.f32 v8, v7;
	v12 =	vld [tilespmem:s1+$0xFFFFFFE0];
	[tilespmem:s2+$0x0] =	vst v9  }
0xdf: {  	v8 =	vld.idx.msk [tilespmem:v17+s22+$0x0], $0xffff  }
0xe0: {  	v9 =	vld.idx.msk [tilespmem:v14+s23+$0x0], $0xffff;
	[tilespmem:s2+$0xFFFFFFE0] =	vst v7  }
0xe1: {  	v7 =	vld.idx.msk [tilespmem:v16+s23+$0x0], $0xffff  }
0xe2: {  	v14 =	vld.idx.msk [tilespmem:v11+s22+$0x0], $0xffff  }
0xe3: {  	v13 =	vld.idx.msk [tilespmem:v13+s23+$0x0], $0xffff  }
0xe4: {  	v16 =	vld.idx.msk [tilespmem:v15+s22+$0x0], $0xffff  }
0xe5: {  	s2 =	sadd.s32 $0x40, s2;
	v10 =	vld.idx.msk [tilespmem:v10+s23+$0x0], $0xffff  }
.Ltmp3:
0xe6: {  	v15 =	vmax.f32 v8, $0.0e+00;
	v17 =	vmax.f32 v9, $0.0e+00;
	v11 =	vld [tilespmem:s2+$0x10];
	(pc) =	sbr.rel @p0 .LBB2_8-.Ltmp3, $4  }
0xe7: {  	v8 =	vmax.f32 v7, $0.0e+00;
	v9 =	vld.idx.msk [tilespmem:v12+s22+$0x0], $0xffff;
	v12 =	vmul.f32 v17, v15  }
0xe8: {  	v15 =	vmax.f32 v14, $0.0e+00;
	v7 =	vld [tilespmem:s2+$0xFFFFFFE0]  }
0xe9: {  	v17 =	vmax.f32 v13, $0.0e+00;
	v13 =	vld [tilespmem:s2+$0xFFFFFFF0];
	v14 =	vmul.f32 v12, v6  }
0xea: {  	s1 =	sadd.s32 $0x40, s1;
	v15 =	vmul.f32 v17, v15;
	v16 =	vmax.f32 v16, $0.0e+00;
	v12 =	vld [tilespmem:s2+$0x0]  }
0xeb: {  	v10 =	vmax.f32 v10, $0.0e+00  }
0xec: {  	v10 =	vmul.f32 v10, v16;
	v9 =	vmax.f32 v9, $0.0e+00  }
0xed: {  	v15 =	vmul.f32 v15, v6;
	v8 =	vmul.f32 v8, v9  }
0xee: {  	v9 =	vadd.f32 v14, v11;
	v10 =	vmul.f32 v10, v6  }
0xef: {  	v11 =	vadd.f32 v15, v13;
	v6 =	vmul.f32 v8, v6  }
0xf0: {  	[tilespmem:s2+$0x10] =	vst v9;
	v8 =	vadd.f32 v10, v12  }
0xf1: {  	[tilespmem:s2+$0xFFFFFFF0] =	vst v11;
	v6 =	vadd.f32 v6, v7  }
0xf2: {  	[tilespmem:s2+$0x0] =	vst v8  }
0xf3: {  	[tilespmem:s2+$0xFFFFFFE0] =	vst v6  }
0xf4: {  	[tilespmem:s22], [sflag:$0x1] =	stream.strided.gather [hbm4b:s12+s20], $0x10000, s21, s20, $0x38;
	[tilespmem:$0x1E7D0] =	vst v63  }
0xf5: {  	_ = 	snop  }
0xf6: {  	[tilespmem:s23], [sflag:$0x2] =	stream.linear.gather [hbm4b:s13+s5], $0x2710, $0x38;
	[tilespmem:$0x1E7D0] =	vst v63  }
0xf7: {  	v8 =	vld.idx.msk [tilespmem:v2+s24+$0x0], $0xffff  }
0xf8: {  	v7 =	vld.idx.msk [tilespmem:v4+s24+$0x0], $0xffff  }
0xf9: {  	v6 =	vld.idx.msk [tilespmem:v5+s24+$0x0], $0xffff;
	_ =	swait.ge [sflag:s28], $0x10000  }
0xfa: {  	[sflag:s28] =	ssyncset.done $0x0  }
0xfb: {  	s0 =	simm.s32 $0x20;
	[sflag:s28] =	ssyncadd.s32 $0xFFFF0000  }
0xfc: {  	v9 =	vld [tilespmem:s0+$0x10]  }
0xfd: {  	v10 =	vld [tilespmem:s0+$0xFFFFFFF0]  }
0xfe: {  	v11 =	vld [tilespmem:s0+$0x0]  }
0xff: {  	s2 =	simm.s32 $0x8020;
	v12 =	vld [tilespmem:s0+$0xFFFFFFE0]  }
0x100: {  	s3 =	simm.s32 $0x60;
	v16 =	vld [tilespmem:s2+$0x10]  }
0x101: {  	v17 =	vld [tilespmem:s3+$0x10]  }
0x102: {  	v18 =	vld [tilespmem:s3+$0xFFFFFFF0]  }
0x103: {  	v19 =	vld [tilespmem:s3+$0x0]  }
0x104: {  	v21 =	vld [tilespmem:s2+$0xFFFFFFF0]  }
0x105: {  	v14 =	vld [tilespmem:s2+$0x0]  }
0x106: {  	v13 =	vld.idx.msk [tilespmem:v9+s22+$0x0], $0xffff  }
0x107: {  	v10 =	vld.idx.msk [tilespmem:v10+s22+$0x0], $0xffff  }
0x108: {  	v15 =	vld.idx.msk [tilespmem:v11+s22+$0x0], $0xffff  }
0x109: {  	v20 =	vld.idx.msk [tilespmem:v12+s22+$0x0], $0xffff  }
0x10a: {  	v9 =	vld [tilespmem:s3+$0xFFFFFFE0]  }
0x10b: {  	v11 =	vld [tilespmem:s2+$0xFFFFFFE0];
	v12 =	vmul.f32 v13, v8  }
0x10c: {  	v13 =	vld.idx.msk [tilespmem:v17+s22+$0x0], $0xffff  }
0x10d: {  	v17 =	vmul.f32 v10, v8;
	v10 =	vld.idx.msk [tilespmem:v19+s22+$0x0], $0xffff;
	v16 =	vadd.f32 v12, v16  }
0x10e: {  	s0 =	simm.s32 $0x8060;
	v15 =	vmul.f32 v15, v8;
	v12 =	vld.idx.msk [tilespmem:v18+s22+$0x0], $0xffff;
	v18 =	vmul.f32 v20, v8  }
0x10f: {  	s1 =	simm.s32 $0x4;
	s3 =	simm.s32 $0xA0;
	v17 =	vadd.f32 v17, v21;
	[tilespmem:s2+$0x10] =	vst v16;
	v16 =	vld [tilespmem:s0+$0x10]  }
.LBB2_10:
0x110: {  	v19 =	vld [tilespmem:s3+$0x10];
	s1 =	sadd.s32 $0x4, s1;
	v11 =	vadd.f32 v18, v11;
	v14 =	vadd.f32 v15, v14  }
0x111: {  	v18 =	vld [tilespmem:s3+$0xFFFFFFF0];
	p0 =	slt.u32 s1, $0x3FC;
	[tilespmem:s2+$0xFFFFFFF0] =	vst v17  }
0x112: {  	v13 =	vmul.f32 v13, v8;
	v17 =	vld [tilespmem:s3+$0x0];
	[tilespmem:s2+$0xFFFFFFE0] =	vst v11  }
0x113: {  	v21 =	vmul.f32 v12, v8;
	v20 =	vld [tilespmem:s3+$0xFFFFFFE0];
	[tilespmem:s2+$0x0] =	vst v14;
	s2 =	smov.u32 s0  }
0x114: {  	v15 =	vmul.f32 v10, v8;
	v22 =	vld.idx.msk [tilespmem:v9+s22+$0x0], $0xffff;
	v9 =	vadd.f32 v13, v16  }
0x115: {  	v11 =	vld [tilespmem:s0+$0xFFFFFFE0]  }
0x116: {  	v23 =	vld [tilespmem:s0+$0xFFFFFFF0];
	[tilespmem:s0+$0x10] =	vst v9  }
.Ltmp4:
0x117: {  	v14 =	vld [tilespmem:s0+$0x0];
	(pc) =	sbr.rel @p0 .LBB2_10-.Ltmp4, $4  }
0x118: {  	v13 =	vld.idx.msk [tilespmem:v19+s22+$0x0], $0xffff;
	v9 =	vmov v20  }
0x119: {  	v12 =	vld.idx.msk [tilespmem:v18+s22+$0x0], $0xffff  }
0x11a: {  	s0 =	sadd.s32 $0x40, s0;
	v18 =	vmul.f32 v22, v8;
	v10 =	vld.idx.msk [tilespmem:v17+s22+$0x0], $0xffff  }
0x11b: {  	s3 =	sadd.s32 $0x40, s3;
	v16 =	vld [tilespmem:s0+$0x10];
	v17 =	vadd.f32 v21, v23  }
0x11c: {  	_ =	sdelay $0x3  }
0x11d: {  	v9 =	vld.idx.msk [tilespmem:v9+s22+$0x0], $0xffff  }
0x11e: {  	v19 =	vld [tilespmem:s0+$0xFFFFFFF0]  }
0x11f: {  	v20 =	vld [tilespmem:s0+$0xFFFFFFE0]  }
0x120: {  	v11 =	vadd.f32 v18, v11;
	v18 =	vld [tilespmem:s0+$0x0];
	v13 =	vmul.f32 v13, v8  }
0x121: {  	v14 =	vadd.f32 v15, v14;
	[tilespmem:s2+$0xFFFFFFF0] =	vst v17;
	v12 =	vmul.f32 v12, v8  }
0x122: {  	[tilespmem:s2+$0xFFFFFFE0] =	vst v11;
	v11 =	vadd.f32 v13, v16;
	v9 =	vmul.f32 v9, v8  }
0x123: {  	[tilespmem:s2+$0x0] =	vst v14;
	v8 =	vmul.f32 v10, v8;
	v10 =	vadd.f32 v12, v19  }
0x124: {  	[tilespmem:s0+$0x10] =	vst v11;
	v9 =	vadd.f32 v9, v20  }
0x125: {  	v8 =	vadd.f32 v8, v18;
	[tilespmem:s0+$0xFFFFFFF0] =	vst v10  }
0x126: {  	[tilespmem:s0+$0xFFFFFFE0] =	vst v9  }
0x127: {  	[tilespmem:s0+$0x0] =	vst v8  }
0x128: {  	[tilespmem:s22], [sflag:$0x1] =	stream.strided.gather [hbm4b:s14+s20], $0x10000, s21, s20, $0x38;
	[tilespmem:$0x1E7D0] =	vst v63  }
0x129: {  	_ =	swait.ge [sflag:s29], $0x2710  }
0x12a: {  	[sflag:s29] =	ssyncset.done $0x0  }
0x12b: {  	s2 =	simm.s32 $0x4020;
	[sflag:s29] =	ssyncadd.s32 $0xFFFFD8F0  }
0x12c: {  	v8 =	vld [tilespmem:s2+$0x10]  }
0x12d: {  	v9 =	vld [tilespmem:s2+$0xFFFFFFF0]  }
0x12e: {  	v10 =	vld [tilespmem:s2+$0x0]  }
0x12f: {  	s3 =	simm.s32 $0x4060;
	v11 =	vld [tilespmem:s2+$0xFFFFFFE0]  }
0x130: {  	v16 =	vld [tilespmem:s3+$0x10]  }
0x131: {  	v17 =	vld [tilespmem:s3+$0xFFFFFFF0]  }
0x132: {  	s2 =	simm.s32 $0x8020;
	v18 =	vld [tilespmem:s3+$0x0]  }
0x133: {  	v15 =	vld [tilespmem:s2+$0x10]  }
0x134: {  	v63 =	vld [tilespmem:s2+$0xFFFFFFF0]  }
0x135: {  	v13 =	vld [tilespmem:s2+$0x0]  }
0x136: {  	v12 =	vld.idx.msk [tilespmem:v8+s23+$0x0], $0xffff  }
0x137: {  	v9 =	vld.idx.msk [tilespmem:v9+s23+$0x0], $0xffff  }
0x138: {  	v14 =	vld.idx.msk [tilespmem:v10+s23+$0x0], $0xffff  }
0x139: {  	v19 =	vld.idx.msk [tilespmem:v11+s23+$0x0], $0xffff  }
0x13a: {  	v8 =	vld [tilespmem:s3+$0xFFFFFFE0]  }
0x13b: {  	v10 =	vld [tilespmem:s2+$0xFFFFFFE0];
	v11 =	vmul.f32 v12, v7  }
0x13c: {  	v12 =	vld.idx.msk [tilespmem:v16+s23+$0x0], $0xffff  }
0x13d: {  	v16 =	vmul.f32 v9, v7;
	v9 =	vld.idx.msk [tilespmem:v18+s23+$0x0], $0xffff;
	v15 =	vadd.f32 v11, v15  }
0x13e: {  	s0 =	simm.s32 $0x8060;
	v14 =	vmul.f32 v14, v7;
	v11 =	vld.idx.msk [tilespmem:v17+s23+$0x0], $0xffff;
	v17 =	vmul.f32 v19, v7  }
0x13f: {  	s1 =	simm.s32 $0x4;
	s3 =	simm.s32 $0x40A0;
	v16 =	vadd.f32 v16, v63;
	[tilespmem:s2+$0x10] =	vst v15;
	v15 =	vld [tilespmem:s0+$0x10]  }
.LBB2_12:
0x140: {  	v18 =	vld [tilespmem:s3+$0x10];
	s1 =	sadd.s32 $0x4, s1;
	v10 =	vadd.f32 v17, v10;
	v13 =	vadd.f32 v14, v13  }
0x141: {  	v17 =	vld [tilespmem:s3+$0xFFFFFFF0];
	p0 =	slt.u32 s1, $0x3FC;
	[tilespmem:s2+$0xFFFFFFF0] =	vst v16  }
0x142: {  	v12 =	vmul.f32 v12, v7;
	v16 =	vld [tilespmem:s3+$0x0];
	[tilespmem:s2+$0xFFFFFFE0] =	vst v10  }
0x143: {  	v20 =	vmul.f32 v11, v7;
	v19 =	vld [tilespmem:s3+$0xFFFFFFE0];
	[tilespmem:s2+$0x0] =	vst v13;
	s2 =	smov.u32 s0  }
0x144: {  	v14 =	vmul.f32 v9, v7;
	v21 =	vld.idx.msk [tilespmem:v8+s23+$0x0], $0xffff;
	v8 =	vadd.f32 v12, v15  }
0x145: {  	v10 =	vld [tilespmem:s0+$0xFFFFFFE0]  }
0x146: {  	v22 =	vld [tilespmem:s0+$0xFFFFFFF0];
	[tilespmem:s0+$0x10] =	vst v8  }
.Ltmp5:
0x147: {  	v13 =	vld [tilespmem:s0+$0x0];
	(pc) =	sbr.rel @p0 .LBB2_12-.Ltmp5, $4  }
0x148: {  	v12 =	vld.idx.msk [tilespmem:v18+s23+$0x0], $0xffff;
	v8 =	vmov v19  }
0x149: {  	v11 =	vld.idx.msk [tilespmem:v17+s23+$0x0], $0xffff  }
0x14a: {  	s0 =	sadd.s32 $0x40, s0;
	v17 =	vmul.f32 v21, v7;
	v9 =	vld.idx.msk [tilespmem:v16+s23+$0x0], $0xffff  }
0x14b: {  	s3 =	sadd.s32 $0x40, s3;
	v15 =	vld [tilespmem:s0+$0x10];
	v16 =	vadd.f32 v20, v22  }
0x14c: {  	_ =	sdelay $0x3  }
0x14d: {  	v8 =	vld.idx.msk [tilespmem:v8+s23+$0x0], $0xffff  }
0x14e: {  	v18 =	vld [tilespmem:s0+$0xFFFFFFF0]  }
0x14f: {  	v19 =	vld [tilespmem:s0+$0xFFFFFFE0]  }
0x150: {  	v10 =	vadd.f32 v17, v10;
	v17 =	vld [tilespmem:s0+$0x0];
	v12 =	vmul.f32 v12, v7  }
0x151: {  	v13 =	vadd.f32 v14, v13;
	[tilespmem:s2+$0xFFFFFFF0] =	vst v16;
	v11 =	vmul.f32 v11, v7  }
0x152: {  	[tilespmem:s2+$0xFFFFFFE0] =	vst v10;
	v10 =	vadd.f32 v12, v15;
	v8 =	vmul.f32 v8, v7  }
0x153: {  	[tilespmem:s2+$0x0] =	vst v13;
	v7 =	vmul.f32 v9, v7;
	v9 =	vadd.f32 v11, v18  }
0x154: {  	[tilespmem:s0+$0x10] =	vst v10;
	v8 =	vadd.f32 v8, v19  }
0x155: {  	v7 =	vadd.f32 v7, v17;
	[tilespmem:s0+$0xFFFFFFF0] =	vst v9  }
0x156: {  	[tilespmem:s0+$0xFFFFFFE0] =	vst v8  }
0x157: {  	[tilespmem:s0+$0x0] =	vst v7  }
0x158: {  	[tilespmem:s23], [sflag:$0x2] =	stream.linear.gather [hbm4b:s15+s5], $0x2710, $0x38;
	[tilespmem:$0x1E7D0] =	vst v63  }
0x159: {  	_ =	swait.ge [sflag:s28], $0x10000  }
0x15a: {  	[sflag:s28] =	ssyncset.done $0x0  }
0x15b: {  	[sflag:s28] =	ssyncadd.s32 $0xFFFF0000  }
0x15c: {  	_ =	swait.ge [sflag:s29], $0x2710  }
0x15d: {  	[sflag:s29] =	ssyncset.done $0x0  }
0x15e: {  	s2 =	simm.s32 $0x20;
	[sflag:s29] =	ssyncadd.s32 $0xFFFFD8F0  }
0x15f: {  	s3 =	simm.s32 $0x4020;
	v7 =	vld [tilespmem:s2+$0x10]  }
0x160: {  	v8 =	vld [tilespmem:s3+$0x10]  }
0x161: {  	v9 =	vld [tilespmem:s3+$0xFFFFFFE0]  }
0x162: {  	v10 =	vld [tilespmem:s2+$0xFFFFFFF0]  }
0x163: {  	v11 =	vld [tilespmem:s3+$0xFFFFFFF0]  }
0x164: {  	v12 =	vld [tilespmem:s2+$0x0]  }
0x165: {  	v13 =	vld [tilespmem:s3+$0x0]  }
0x166: {  	v14 =	vld [tilespmem:s2+$0xFFFFFFE0]  }
0x167: {  	v7 =	vld.idx.msk [tilespmem:v7+s22+$0x0], $0xffff  }
0x168: {  	v8 =	vld.idx.msk [tilespmem:v8+s23+$0x0], $0xffff  }
0x169: {  	v15 =	vld.idx.msk [tilespmem:v9+s23+$0x0], $0xffff  }
0x16a: {  	v16 =	vld.idx.msk [tilespmem:v10+s22+$0x0], $0xffff  }
0x16b: {  	v17 =	vld.idx.msk [tilespmem:v11+s23+$0x0], $0xffff  }
0x16c: {  	v12 =	vld.idx.msk [tilespmem:v12+s22+$0x0], $0xffff  }
0x16d: {  	s2 =	simm.s32 $0x8020;
	v10 =	vld.idx.msk [tilespmem:v13+s23+$0x0], $0xffff  }
0x16e: {  	v11 =	vld [tilespmem:s2+$0x10];
	v7 =	vmax.f32 v7, $0.0e+00;
	v8 =	vmax.f32 v8, $0.0e+00  }
0x16f: {  	v9 =	vld.idx.msk [tilespmem:v14+s22+$0x0], $0xffff;
	v14 =	vmul.f32 v8, v7  }
0x170: {  	v13 =	vld [tilespmem:s2+$0xFFFFFFF0];
	v8 =	vmax.f32 v15, $0.0e+00  }
0x171: {  	v7 =	vld [tilespmem:s2+$0xFFFFFFE0];
	v15 =	vmax.f32 v16, $0.0e+00;
	v16 =	vmax.f32 v17, $0.0e+00;
	v14 =	vmul.f32 v14, v6  }
0x172: {  	s1 =	simm.s32 $0x60;
	s0 =	simm.s32 $0x0;
	v15 =	vmul.f32 v16, v15;
	v16 =	vmax.f32 v12, $0.0e+00;
	v12 =	vld [tilespmem:s2+$0x0]  }
.LBB2_14:
0x173: {  	v17 =	vld [tilespmem:s1+$0x10];
	v10 =	vmax.f32 v10, $0.0e+00;
	v11 =	vadd.f32 v14, v11;
	s3 =	sadd.s32 $0x40, s3  }
0x174: {  	s0 =	sadd.s32 $0x4, s0;
	v14 =	vld [tilespmem:s3+$0x10];
	v15 =	vmul.f32 v15, v6;
	v10 =	vmul.f32 v10, v16  }
0x175: {  	p0 =	slt.u32 s0, $0x3FC;
	v9 =	vmax.f32 v9, $0.0e+00;
	v16 =	vld [tilespmem:s3+$0xFFFFFFE0];
	[tilespmem:s2+$0x10] =	vst v11  }
0x176: {  	v8 =	vmul.f32 v8, v9;
	v11 =	vld [tilespmem:s1+$0xFFFFFFF0];
	v9 =	vadd.f32 v15, v13;
	v10 =	vmul.f32 v10, v6  }
0x177: {  	v13 =	vld [tilespmem:s3+$0xFFFFFFF0]  }
0x178: {  	v8 =	vmul.f32 v8, v6;
	v15 =	vld [tilespmem:s1+$0x0];
	[tilespmem:s2+$0xFFFFFFF0] =	vst v9;
	v9 =	vadd.f32 v10, v12  }
0x179: {  	v10 =	vld [tilespmem:s3+$0x0]  }
0x17a: {  	v7 =	vadd.f32 v8, v7;
	v12 =	vld [tilespmem:s1+$0xFFFFFFE0];
	[tilespmem:s2+$0x0] =	vst v9  }
0x17b: {  	v8 =	vld.idx.msk [tilespmem:v17+s22+$0x0], $0xffff  }
0x17c: {  	v9 =	vld.idx.msk [tilespmem:v14+s23+$0x0], $0xffff;
	[tilespmem:s2+$0xFFFFFFE0] =	vst v7  }
0x17d: {  	v7 =	vld.idx.msk [tilespmem:v16+s23+$0x0], $0xffff  }
0x17e: {  	v14 =	vld.idx.msk [tilespmem:v11+s22+$0x0], $0xffff  }
0x17f: {  	v13 =	vld.idx.msk [tilespmem:v13+s23+$0x0], $0xffff  }
0x180: {  	v16 =	vld.idx.msk [tilespmem:v15+s22+$0x0], $0xffff  }
0x181: {  	s2 =	sadd.s32 $0x40, s2;
	v10 =	vld.idx.msk [tilespmem:v10+s23+$0x0], $0xffff  }
.Ltmp6:
0x182: {  	v15 =	vmax.f32 v8, $0.0e+00;
	v17 =	vmax.f32 v9, $0.0e+00;
	v11 =	vld [tilespmem:s2+$0x10];
	(pc) =	sbr.rel @p0 .LBB2_14-.Ltmp6, $4  }
0x183: {  	v8 =	vmax.f32 v7, $0.0e+00;
	v9 =	vld.idx.msk [tilespmem:v12+s22+$0x0], $0xffff;
	v12 =	vmul.f32 v17, v15  }
0x184: {  	v15 =	vmax.f32 v14, $0.0e+00;
	v7 =	vld [tilespmem:s2+$0xFFFFFFE0]  }
0x185: {  	v17 =	vmax.f32 v13, $0.0e+00;
	v13 =	vld [tilespmem:s2+$0xFFFFFFF0];
	v14 =	vmul.f32 v12, v6  }
0x186: {  	s1 =	sadd.s32 $0x40, s1;
	v15 =	vmul.f32 v17, v15;
	v16 =	vmax.f32 v16, $0.0e+00;
	v12 =	vld [tilespmem:s2+$0x0]  }
0x187: {  	v10 =	vmax.f32 v10, $0.0e+00  }
0x188: {  	v10 =	vmul.f32 v10, v16;
	v9 =	vmax.f32 v9, $0.0e+00  }
0x189: {  	v15 =	vmul.f32 v15, v6;
	v8 =	vmul.f32 v8, v9  }
0x18a: {  	v9 =	vadd.f32 v14, v11;
	v10 =	vmul.f32 v10, v6  }
0x18b: {  	v11 =	vadd.f32 v15, v13;
	v8 =	vmul.f32 v8, v6  }
0x18c: {  	[tilespmem:s2+$0x10] =	vst v9;
	v9 =	vadd.f32 v10, v12  }
0x18d: {  	[tilespmem:s2+$0xFFFFFFF0] =	vst v11;
	v7 =	vadd.f32 v8, v7  }
0x18e: {  	[tilespmem:s2+$0x0] =	vst v9  }
0x18f: {  	[tilespmem:s2+$0xFFFFFFE0] =	vst v7  }
0x190: {  	[tilespmem:s22], [sflag:$0x1] =	stream.strided.gather [hbm4b:s16+s20], $0x10000, s21, s20, $0x38;
	[tilespmem:$0x1E7D0] =	vst v63  }
0x191: {  	_ = 	snop  }
0x192: {  	[tilespmem:s23], [sflag:$0x2] =	stream.linear.gather [hbm4b:s17+s5], $0x2710, $0x38;
	[tilespmem:$0x1E7D0] =	vst v63  }
0x193: {  	_ =	swait.ge [sflag:s28], $0x10000  }
0x194: {  	[sflag:s28] =	ssyncset.done $0x0  }
0x195: {  	[sflag:s28] =	ssyncadd.s32 $0xFFFF0000  }
0x196: {  	_ =	swait.ge [sflag:s29], $0x2710  }
0x197: {  	[sflag:s29] =	ssyncset.done $0x0  }
0x198: {  	s0 =	simm.s32 $0x20;
	[sflag:s29] =	ssyncadd.s32 $0xFFFFD8F0  }
0x199: {  	s3 =	simm.s32 $0x4020;
	v7 =	vld [tilespmem:s0+$0x10]  }
0x19a: {  	v8 =	vld [tilespmem:s3+$0x10]  }
0x19b: {  	v9 =	vld [tilespmem:s3+$0xFFFFFFE0]  }
0x19c: {  	v10 =	vld [tilespmem:s0+$0xFFFFFFF0]  }
0x19d: {  	v11 =	vld [tilespmem:s3+$0xFFFFFFF0]  }
0x19e: {  	v12 =	vld [tilespmem:s0+$0x0]  }
0x19f: {  	v13 =	vld [tilespmem:s3+$0x0]  }
0x1a0: {  	v14 =	vld [tilespmem:s0+$0xFFFFFFE0]  }
0x1a1: {  	v7 =	vld.idx.msk [tilespmem:v7+s22+$0x0], $0xffff  }
0x1a2: {  	v8 =	vld.idx.msk [tilespmem:v8+s23+$0x0], $0xffff  }
0x1a3: {  	v15 =	vld.idx.msk [tilespmem:v9+s23+$0x0], $0xffff  }
0x1a4: {  	v16 =	vld.idx.msk [tilespmem:v10+s22+$0x0], $0xffff  }
0x1a5: {  	v17 =	vld.idx.msk [tilespmem:v11+s23+$0x0], $0xffff  }
0x1a6: {  	v12 =	vld.idx.msk [tilespmem:v12+s22+$0x0], $0xffff  }
0x1a7: {  	s2 =	simm.s32 $0x8020;
	v10 =	vld.idx.msk [tilespmem:v13+s23+$0x0], $0xffff  }
0x1a8: {  	v11 =	vld [tilespmem:s2+$0x10];
	v7 =	vmax.f32 v7, $0.0e+00;
	v8 =	vmax.f32 v8, $0.0e+00  }
0x1a9: {  	v9 =	vld.idx.msk [tilespmem:v14+s22+$0x0], $0xffff;
	v14 =	vmul.f32 v8, v7  }
0x1aa: {  	v13 =	vld [tilespmem:s2+$0xFFFFFFF0];
	v8 =	vmax.f32 v15, $0.0e+00  }
0x1ab: {  	v7 =	vld [tilespmem:s2+$0xFFFFFFE0];
	v15 =	vmax.f32 v16, $0.0e+00;
	v16 =	vmax.f32 v17, $0.0e+00;
	v14 =	vmul.f32 v14, v6  }
0x1ac: {  	s1 =	simm.s32 $0x60;
	s0 =	simm.s32 $0x0;
	v15 =	vmul.f32 v16, v15;
	v16 =	vmax.f32 v12, $0.0e+00;
	v12 =	vld [tilespmem:s2+$0x0]  }
.LBB2_16:
0x1ad: {  	v17 =	vld [tilespmem:s1+$0x10];
	v10 =	vmax.f32 v10, $0.0e+00;
	v11 =	vadd.f32 v14, v11;
	s3 =	sadd.s32 $0x40, s3  }
0x1ae: {  	s0 =	sadd.s32 $0x4, s0;
	v14 =	vld [tilespmem:s3+$0x10];
	v15 =	vmul.f32 v15, v6;
	v10 =	vmul.f32 v10, v16  }
0x1af: {  	p0 =	slt.u32 s0, $0x3FC;
	v9 =	vmax.f32 v9, $0.0e+00;
	v16 =	vld [tilespmem:s3+$0xFFFFFFE0];
	[tilespmem:s2+$0x10] =	vst v11  }
0x1b0: {  	v8 =	vmul.f32 v8, v9;
	v11 =	vld [tilespmem:s1+$0xFFFFFFF0];
	v9 =	vadd.f32 v15, v13;
	v10 =	vmul.f32 v10, v6  }
0x1b1: {  	v13 =	vld [tilespmem:s3+$0xFFFFFFF0]  }
0x1b2: {  	v8 =	vmul.f32 v8, v6;
	v15 =	vld [tilespmem:s1+$0x0];
	[tilespmem:s2+$0xFFFFFFF0] =	vst v9;
	v9 =	vadd.f32 v10, v12  }
0x1b3: {  	v10 =	vld [tilespmem:s3+$0x0]  }
0x1b4: {  	v7 =	vadd.f32 v8, v7;
	v12 =	vld [tilespmem:s1+$0xFFFFFFE0];
	[tilespmem:s2+$0x0] =	vst v9  }
0x1b5: {  	v8 =	vld.idx.msk [tilespmem:v17+s22+$0x0], $0xffff  }
0x1b6: {  	v9 =	vld.idx.msk [tilespmem:v14+s23+$0x0], $0xffff;
	[tilespmem:s2+$0xFFFFFFE0] =	vst v7  }
0x1b7: {  	v7 =	vld.idx.msk [tilespmem:v16+s23+$0x0], $0xffff  }
0x1b8: {  	v14 =	vld.idx.msk [tilespmem:v11+s22+$0x0], $0xffff  }
0x1b9: {  	v13 =	vld.idx.msk [tilespmem:v13+s23+$0x0], $0xffff  }
0x1ba: {  	v16 =	vld.idx.msk [tilespmem:v15+s22+$0x0], $0xffff  }
0x1bb: {  	s2 =	sadd.s32 $0x40, s2;
	v10 =	vld.idx.msk [tilespmem:v10+s23+$0x0], $0xffff  }
.Ltmp7:
0x1bc: {  	v15 =	vmax.f32 v8, $0.0e+00;
	v17 =	vmax.f32 v9, $0.0e+00;
	v11 =	vld [tilespmem:s2+$0x10];
	(pc) =	sbr.rel @p0 .LBB2_16-.Ltmp7, $4  }
0x1bd: {  	v8 =	vmax.f32 v7, $0.0e+00;
	v9 =	vld.idx.msk [tilespmem:v12+s22+$0x0], $0xffff;
	v12 =	vmul.f32 v17, v15  }
0x1be: {  	v15 =	vmax.f32 v14, $0.0e+00;
	v7 =	vld [tilespmem:s2+$0xFFFFFFE0]  }
0x1bf: {  	v17 =	vmax.f32 v13, $0.0e+00;
	v13 =	vld [tilespmem:s2+$0xFFFFFFF0];
	v14 =	vmul.f32 v12, v6  }
0x1c0: {  	s1 =	sadd.s32 $0x40, s1;
	v15 =	vmul.f32 v17, v15;
	v16 =	vmax.f32 v16, $0.0e+00;
	v12 =	vld [tilespmem:s2+$0x0]  }
0x1c1: {  	v10 =	vmax.f32 v10, $0.0e+00  }
0x1c2: {  	v10 =	vmul.f32 v10, v16;
	v9 =	vmax.f32 v9, $0.0e+00  }
0x1c3: {  	v15 =	vmul.f32 v15, v6;
	v8 =	vmul.f32 v8, v9  }
0x1c4: {  	v61 =	vadd.f32 v14, v11;
	v10 =	vmul.f32 v10, v6  }
0x1c5: {  	v62 =	vadd.f32 v15, v13;
	v6 =	vmul.f32 v8, v6  }
0x1c6: {  	[tilespmem:s2+$0x10] =	vst v61;
	v63 =	vadd.f32 v10, v12  }
0x1c7: {  	s31 =	sadd.s32 $0x1, s31;
	[tilespmem:s2+$0xFFFFFFF0] =	vst v62;
	v6 =	vadd.f32 v6, v7  }
0x1c8: {  	p0 =	sne.s32 s31, s19;
	[tilespmem:s2+$0x0] =	vst v63  }
.Ltmp8:
0x1c9: {  	[tilespmem:s2+$0xFFFFFFE0] =	vst v6;
	(pc) =	sbr.rel @p0 .LBB2_1-.Ltmp8, $4  }
0x1ca: {  	[hbm4b:s18+s5] =	stream.linear.scatter [tilespmem:s30], [sflag:$0x3], $0x4000, $0x38;
	[tilespmem:$0x1E7D0] =	vst v63  }
0x1cb: {  	_ =	swait.ge [sflag:s25], $0x4000  }
0x1cc: {  	[sflag:s25] =	ssyncset.done $0x0  }
0x1cd: {  	[sflag:s25] =	ssyncadd.s32 $0xFFFFC000  }
0x1ce: {  	_ =	sfence.sel $0x180000  }
0x1cf: {  	[bflag:$0x0] =	sbarrier.arrive $0xFFFF  }
0x1d0: {  	_ =	strace $0x90000047  }
0x1d1: {  	s0 =	stileid.u32;
	[bflag:$0x2] =	sbarrier.arrive $0xFFFF  }
0x1d2: {  	p0 =	sne.s32 s0, $0x0;
	s0 =	rddreg [dreg:$0xa]  }
0x1d3: {  	s0 =	sadd.s32 @!p0 $0x100000, s0  }
0x1d4: {  	[sflag:s0] =	ssyncadd.tile.s32 @!p0 $0x1;
	_ =	shalt  }
.Lfunc_end2:
_tile_overlayer_lowered:
.L_overlay_start_2:
0x1d5: {  	(tag) =	ssettag $0x2  }
0x1d6: {  	s0 =	rddreg [dreg:$0x0];
	s2 =	stileid.u32  }
0x1d7: {  	s1 =	rddreg [dreg:$0x1];
	p0 =	sne.s32 s2, $0x0  }
0x1d8: {  	s3 =	rddreg [dreg:$0x2];
	[bflag:$0x3] =	sbarrier.arrive $0xFFFF;
	s2 =	simm.s32 @!p0 $0x1C03  }
0x1d9: {  	[timem:s3], [sflag:s2] =	dma.local @!p0 [hbm:s0], s1  }
0x1da: {  	s0 =	simm.s32 @!p0 $0x3  }
0x1db: {  	_ =	swait.ge @!p0 [sflag:s0], s1  }
0x1dc: {  	s1 =	ssub.s32 @!p0 $0x0, s1;
	[sflag:s0] =	ssyncset.done @!p0 $0x0  }
0x1dd: {  	[sflag:s0] =	ssyncadd.s32 @!p0 s1  }
0x1de: {  	[bflag:$0x3] =	sbarrier.arrive $0xFFFF  }
0x1df: {  	_ =	shalt  }

</sc_bundles>
